<compile_context>
chip_gen: v7x
topology: tpu7x:2x2x1
jax: 0.10.2.dev20260603
libtpu: 0.0.44.dev20260713+nightly
codegen_flags: <defaults>
</compile_context>

<pallas_src>
import functools

import jax
import jax.numpy as jnp
from jax import lax
from jax.experimental import pallas as pl
from jax.experimental.pallas import tpu as pltpu
from jax.experimental.pallas import tpu_sc as plsc

_INFO = plsc.get_sparse_core_info()
_NC = _INFO.num_cores
_NS = _INFO.num_subcores
_NW = _NC * _NS
_CW = 128


def _sc_gather(up3, mp3, u2, m2, nchunks):
    B = _NW * nchunks * _CW
    mesh = plsc.VectorSubcoreMesh(core_axis_name="c", subcore_axis_name="s")
    out_sds = jax.ShapeDtypeStruct((B, 128), jnp.float32)

    @functools.partial(
        pl.kernel,
        mesh=mesh,
        out_type=[out_sds, out_sds],
        scratch_types=[
            pltpu.VMEM((nchunks, _CW), jnp.int32),
            pltpu.VMEM((nchunks, _CW), jnp.int32),
            pltpu.VMEM((2, _CW, 128), jnp.float32),
            pltpu.VMEM((2, _CW, 128), jnp.float32),
            pltpu.SemaphoreType.DMA,
        ],
    )
    def gather_kernel(up_hbm, mp_hbm, u2_hbm, m2_hbm,
                      uout_hbm, mout_hbm,
                      uidx, midx, ubuf, mbuf, sem):
        wid = lax.axis_index("s") * _NC + lax.axis_index("c")
        pltpu.sync_copy(up_hbm.at[wid], uidx)
        pltpu.sync_copy(mp_hbm.at[wid], midx)

        def fire(c):
            s = c % 2
            return (
                pltpu.async_copy(u2_hbm.at[uidx.at[c]], ubuf.at[s], sem),
                pltpu.async_copy(m2_hbm.at[midx.at[c]], mbuf.at[s], sem),
            )

        pend = [fire(0), fire(1)]
        for c in range(nchunks):
            cu, cm = pend[c]
            cu.wait()
            cm.wait()
            s = c % 2
            base = (wid * nchunks + c) * _CW
            pltpu.sync_copy(ubuf.at[s], uout_hbm.at[pl.ds(base, _CW)])
            pltpu.sync_copy(mbuf.at[s], mout_hbm.at[pl.ds(base, _CW)])
            if c + 2 < nchunks:
                pend.append(fire(c + 2))

    return gather_kernel(up3, mp3, u2, m2)


def _mlp_body(u_ref, m_ref, hu_ref, hm_ref, w1a_ref, w1b_ref, b1_ref,
              w2_ref, b2_ref, w3t_ref, b3_ref, out_ref):
    bm = u_ref.shape[0]
    left = (lax.broadcasted_iota(jnp.int32, (bm, 128), 1) < 64).astype(
        jnp.float32)
    mask_u = left + hu_ref[:, :] * (1.0 - 2.0 * left)
    mask_m = left + hm_ref[:, :] * (1.0 - 2.0 * left)
    h1 = jnp.dot(u_ref[:, :] * mask_u, w1a_ref[:, :],
                 preferred_element_type=jnp.float32)
    h1 = h1 + jnp.dot(m_ref[:, :] * mask_m, w1b_ref[:, :],
                      preferred_element_type=jnp.float32)
    h1 = jnp.maximum(h1 + b1_ref[:, :], 0.0)
    h2 = jnp.dot(h1, w2_ref[:, :], preferred_element_type=jnp.float32)
    h2 = jnp.maximum(h2 + b2_ref[:, :], 0.0)
    out = jnp.sum(h2 * w3t_ref[:, :], axis=1, keepdims=True) + b3_ref[0, 0]
    out_ref[:, :] = out


def _tc_mlp(u128, m128, hu, hm, W1, b1, W2, b2, W3, b3, bm):
    B = u128.shape[0]
    emb = W1.shape[0] // 2
    h1d = W1.shape[1]
    h2d = W2.shape[1]
    w1a2 = jnp.concatenate([W1[:emb], W1[:emb]], axis=0)
    w1b2 = jnp.concatenate([W1[emb:], W1[emb:]], axis=0)
    grid = (B // bm,)
    return pl.pallas_call(
        _mlp_body,
        grid=grid,
        in_specs=[
            pl.BlockSpec((bm, 128), lambda i: (i, 0)),
            pl.BlockSpec((bm, 128), lambda i: (i, 0)),
            pl.BlockSpec((bm, 1), lambda i: (i, 0)),
            pl.BlockSpec((bm, 1), lambda i: (i, 0)),
            pl.BlockSpec((128, h1d), lambda i: (0, 0)),
            pl.BlockSpec((128, h1d), lambda i: (0, 0)),
            pl.BlockSpec((1, h1d), lambda i: (0, 0)),
            pl.BlockSpec((h1d, h2d), lambda i: (0, 0)),
            pl.BlockSpec((1, h2d), lambda i: (0, 0)),
            pl.BlockSpec((1, h2d), lambda i: (0, 0)),
            pl.BlockSpec((1, 1), lambda i: (0, 0)),
        ],
        out_specs=pl.BlockSpec((bm, 1), lambda i: (i, 0)),
        out_shape=jax.ShapeDtypeStruct((B, 1), jnp.float32),
        compiler_params=pltpu.CompilerParams(
            dimension_semantics=("arbitrary",)),
    )(u128, m128, hu, hm, w1a2, w1b2, b1.reshape(1, h1d), W2,
      b2.reshape(1, h2d), W3.reshape(1, h2d), b3.reshape(1, 1))


def kernel(user_id, movie_title, user_table, movie_table,
           W1, b1, W2, b2, W3, b3):
    B = user_id.shape[0]
    nchunks = B // (_NW * _CW)
    up3 = (user_id >> 1).reshape(_NW, nchunks, _CW)
    mp3 = (movie_title >> 1).reshape(_NW, nchunks, _CW)
    hu = (user_id & 1).astype(jnp.float32).reshape(B, 1)
    hm = (movie_title & 1).astype(jnp.float32).reshape(B, 1)
    nu = (user_table.shape[0] - 1) // 2
    nm = (movie_table.shape[0] - 1) // 2
    u2 = user_table[:2 * nu].reshape(nu, 128)
    m2 = movie_table[:2 * nm].reshape(nm, 128)
    u128, m128 = _sc_gather(up3, mp3, u2, m2, nchunks)
    return _tc_mlp(u128, m128, hu, hm, W1, b1, W2, b2, W3, b3, bm=2048)

# --- scband reference (transcript-rebuilt; emitter-appended) ---
"""Pipeline reference for scband-ranking-model-45870250721857 (READ-ONLY COPY).

The authoritative reference and input builder live on the scoring server;
editing this copy changes nothing except your own understanding.
"""

import jax, jax.numpy as jnp
import numpy as np

NUM_USERS = 1000000
NUM_MOVIES = 100000
EMB_DIM = 64
BATCH = 16384


def setup_inputs(seed: int = 0) -> dict:
    key = jax.random.key(seed)
    ks = jax.random.split(key, 10)
    user_id = jax.random.randint(ks[0], (BATCH,), 0, NUM_USERS, dtype=jnp.int64 if jax.config.jax_enable_x64 else jnp.int32).astype(jnp.int32)
    movie_title = jax.random.randint(ks[1], (BATCH,), 0, NUM_MOVIES, dtype=jnp.int32)
    # Embedding tables sized len(vocab)+1 to mirror StringLookup OOV slot
    user_table = jax.random.normal(ks[2], (NUM_USERS + 1, EMB_DIM), dtype=jnp.float32) * 0.05
    movie_table = jax.random.normal(ks[3], (NUM_MOVIES + 1, EMB_DIM), dtype=jnp.float32) * 0.05
    W1 = jax.random.normal(ks[4], (2 * EMB_DIM, 256), dtype=jnp.float32) * (1.0 / np.sqrt(2 * EMB_DIM))
    b1 = jnp.zeros((256,), dtype=jnp.float32)
    W2 = jax.random.normal(ks[5], (256, 64), dtype=jnp.float32) * (1.0 / np.sqrt(256))
    b2 = jnp.zeros((64,), dtype=jnp.float32)
    W3 = jax.random.normal(ks[6], (64, 1), dtype=jnp.float32) * (1.0 / np.sqrt(64))
    b3 = jnp.zeros((1,), dtype=jnp.float32)
    return {
        "user_id": user_id,
        "movie_title": movie_title,
        "user_table": user_table,
        "movie_table": movie_table,
        "W1": W1, "b1": b1,
        "W2": W2, "b2": b2,
        "W3": W3, "b3": b3,
    }


def reference(user_id, movie_title, user_table, movie_table, W1, b1, W2, b2, W3, b3):
    # Embedding lookups (gather -> SparseCore)
    user_emb = jnp.take(user_table, user_id, axis=0)      # [B, 64]
    movie_emb = jnp.take(movie_table, movie_title, axis=0)  # [B, 64]
    x = jnp.concatenate([user_emb, movie_emb], axis=1)    # [B, 128]
    h1 = jax.nn.relu(x @ W1 + b1)                          # [B, 256]
    h2 = jax.nn.relu(h1 @ W2 + b2)                         # [B, 64]
    out = h2 @ W3 + b3                                     # [B, 1]
    return out

if __name__ == "__main__":
    import jax
    _d = setup_inputs()
    print(jax.jit(kernel)(*tuple(_d.values())))

</pallas_src>

<mosaic_0001>
#map = affine_map<(d0, d1) -> (0, 0, 0)>
#map1 = affine_map<(d0, d1) -> (0, 0)>
module attributes {stable_mosaic.version = 14 : i64} {
  func.func @gather_kernel(%arg0: i32, %arg1: i32, %arg2: memref<32x4x128xi32, #tpu.memory_space<hbm>>, %arg3: memref<32x4x128xi32, #tpu.memory_space<hbm>>, %arg4: memref<500000x128xf32, #tpu.memory_space<hbm>>, %arg5: memref<50000x128xf32, #tpu.memory_space<hbm>>, %arg6: memref<16384x128xf32, #tpu.memory_space<hbm>>, %arg7: memref<16384x128xf32, #tpu.memory_space<hbm>>, %arg8: memref<4x128xi32, #tpu.memory_space<vmem>>, %arg9: memref<4x128xi32, #tpu.memory_space<vmem>>, %arg10: memref<2x128x128xf32, #tpu.memory_space<vmem>>, %arg11: memref<2x128x128xf32, #tpu.memory_space<vmem>>, %arg12: memref<!tpu.dma_semaphore, #tpu.memory_space<semaphore_mem>>) attributes {dimension_semantics = [#tpu.dimension_semantics<core_parallel>, #tpu.dimension_semantics<subcore_parallel>], iteration_bounds = array<i64: 2, 16>, scalar_prefetch = 0 : i64, scratch_operands = 5 : i64, tpu.core_type = #tpu.core_type<sc_vector_subcore>, window_params = [{transform_indices = #map}, {transform_indices = #map}, {transform_indices = #map1}, {transform_indices = #map1}, {transform_indices = #map1}, {transform_indices = #map1}]} {
    %mul3A = arith.constant 2 : i32
    %mul3A_0 = arith.muli %arg1, %mul3A : i32
    %add3A = arith.addi %mul3A_0, %arg0 : i32
    "tpu.region"() ({
      %run_scoped3A_222 = tpu.sem_alloc : memref<!tpu.dma_semaphore, #tpu.memory_space<semaphore_mem>>
      %dma_start3A_223 = arith.constant 0 : i32
      %dma_start3A_224 = arith.constant 0 : i32
      %dma_start3A_225 = tpu.memref_slice %arg2[%add3A, %dma_start3A_223, %dma_start3A_224] : memref<32x4x128xi32, #tpu.memory_space<hbm>> -> memref<1x4x128xi32, #tpu.memory_space<hbm>>
      %dma_start3A_226 = tpu.memref_squeeze %dma_start3A_225 : memref<1x4x128xi32, #tpu.memory_space<hbm>> -> memref<4x128xi32, #tpu.memory_space<hbm>>
      %dma_start3A_227 = arith.constant 0 : i32
      %dma_start3A_228 = arith.constant 0 : i32
      %dma_start3A_229 = tpu.memref_slice %arg2[%add3A, %dma_start3A_227, %dma_start3A_228] : memref<32x4x128xi32, #tpu.memory_space<hbm>> -> memref<1x4x128xi32, #tpu.memory_space<hbm>>
      %dma_start3A_230 = tpu.memref_squeeze %dma_start3A_229 : memref<1x4x128xi32, #tpu.memory_space<hbm>> -> memref<4x128xi32, #tpu.memory_space<hbm>>
      tpu.enqueue_dma source(%dma_start3A_230 : memref<4x128xi32, #tpu.memory_space<hbm>>) target(%arg8 : memref<4x128xi32, #tpu.memory_space<vmem>>) target_semaphore(%run_scoped3A_222 : memref<!tpu.dma_semaphore, #tpu.memory_space<semaphore_mem>>)
      %dma_wait3A_231 = arith.constant 0 : i32
      %dma_wait3A_232 = arith.constant 0 : i32
      %dma_wait3A_233 = tpu.memref_slice %arg2[%add3A, %dma_wait3A_231, %dma_wait3A_232] : memref<32x4x128xi32, #tpu.memory_space<hbm>> -> memref<1x4x128xi32, #tpu.memory_space<hbm>>
      %dma_wait3A_234 = tpu.memref_squeeze %dma_wait3A_233 : memref<1x4x128xi32, #tpu.memory_space<hbm>> -> memref<4x128xi32, #tpu.memory_space<hbm>>
      %dma_wait3A_235 = arith.constant 0 : i32
      %dma_wait3A_236 = arith.constant 0 : i32
      %dma_wait3A_237 = tpu.memref_slice %arg2[%add3A, %dma_wait3A_235, %dma_wait3A_236] : memref<32x4x128xi32, #tpu.memory_space<hbm>> -> memref<1x4x128xi32, #tpu.memory_space<hbm>>
      %dma_wait3A_238 = tpu.memref_squeeze %dma_wait3A_237 : memref<1x4x128xi32, #tpu.memory_space<hbm>> -> memref<4x128xi32, #tpu.memory_space<hbm>>
      tpu.wait_dma2 semaphore(%run_scoped3A_222 : memref<!tpu.dma_semaphore, #tpu.memory_space<semaphore_mem>>) src(%dma_wait3A_238 : memref<4x128xi32, #tpu.memory_space<hbm>>) dst(%arg8 : memref<4x128xi32, #tpu.memory_space<vmem>>)
      tpu.yield
    }) : () -> ()
    "tpu.region"() ({
      %run_scoped3A_222 = tpu.sem_alloc : memref<!tpu.dma_semaphore, #tpu.memory_space<semaphore_mem>>
      %dma_start3A_223 = arith.constant 0 : i32
      %dma_start3A_224 = arith.constant 0 : i32
      %dma_start3A_225 = tpu.memref_slice %arg3[%add3A, %dma_start3A_223, %dma_start3A_224] : memref<32x4x128xi32, #tpu.memory_space<hbm>> -> memref<1x4x128xi32, #tpu.memory_space<hbm>>
      %dma_start3A_226 = tpu.memref_squeeze %dma_start3A_225 : memref<1x4x128xi32, #tpu.memory_space<hbm>> -> memref<4x128xi32, #tpu.memory_space<hbm>>
      %dma_start3A_227 = arith.constant 0 : i32
      %dma_start3A_228 = arith.constant 0 : i32
      %dma_start3A_229 = tpu.memref_slice %arg3[%add3A, %dma_start3A_227, %dma_start3A_228] : memref<32x4x128xi32, #tpu.memory_space<hbm>> -> memref<1x4x128xi32, #tpu.memory_space<hbm>>
      %dma_start3A_230 = tpu.memref_squeeze %dma_start3A_229 : memref<1x4x128xi32, #tpu.memory_space<hbm>> -> memref<4x128xi32, #tpu.memory_space<hbm>>
      tpu.enqueue_dma source(%dma_start3A_230 : memref<4x128xi32, #tpu.memory_space<hbm>>) target(%arg9 : memref<4x128xi32, #tpu.memory_space<vmem>>) target_semaphore(%run_scoped3A_222 : memref<!tpu.dma_semaphore, #tpu.memory_space<semaphore_mem>>)
      %dma_wait3A_231 = arith.constant 0 : i32
      %dma_wait3A_232 = arith.constant 0 : i32
      %dma_wait3A_233 = tpu.memref_slice %arg3[%add3A, %dma_wait3A_231, %dma_wait3A_232] : memref<32x4x128xi32, #tpu.memory_space<hbm>> -> memref<1x4x128xi32, #tpu.memory_space<hbm>>
      %dma_wait3A_234 = tpu.memref_squeeze %dma_wait3A_233 : memref<1x4x128xi32, #tpu.memory_space<hbm>> -> memref<4x128xi32, #tpu.memory_space<hbm>>
      %dma_wait3A_235 = arith.constant 0 : i32
      %dma_wait3A_236 = arith.constant 0 : i32
      %dma_wait3A_237 = tpu.memref_slice %arg3[%add3A, %dma_wait3A_235, %dma_wait3A_236] : memref<32x4x128xi32, #tpu.memory_space<hbm>> -> memref<1x4x128xi32, #tpu.memory_space<hbm>>
      %dma_wait3A_238 = tpu.memref_squeeze %dma_wait3A_237 : memref<1x4x128xi32, #tpu.memory_space<hbm>> -> memref<4x128xi32, #tpu.memory_space<hbm>>
      tpu.wait_dma2 semaphore(%run_scoped3A_222 : memref<!tpu.dma_semaphore, #tpu.memory_space<semaphore_mem>>) src(%dma_wait3A_238 : memref<4x128xi32, #tpu.memory_space<hbm>>) dst(%arg9 : memref<4x128xi32, #tpu.memory_space<vmem>>)
      tpu.yield
    }) : () -> ()
    %dma_start3A = arith.constant 0 : i32
    %dma_start3A_1 = arith.constant 0 : i32
    %dma_start3A_2 = arith.constant 0 : i32
    %dma_start3A_3 = arith.constant 0 : i32
    %dma_start3A_4 = tpu.memref_slice %arg10[%dma_start3A_1, %dma_start3A_2, %dma_start3A_3] : memref<2x128x128xf32, #tpu.memory_space<vmem>> -> memref<1x128x128xf32, #tpu.memory_space<vmem>>
    %dma_start3A_5 = tpu.memref_squeeze %dma_start3A_4 : memref<1x128x128xf32, #tpu.memory_space<vmem>> -> memref<128x128xf32, #tpu.memory_space<vmem>>
    %dma_start3A_6 = arith.constant 0 : i32
    %dma_start3A_7 = tpu.memref_slice %arg8[%dma_start3A, %dma_start3A_6] : memref<4x128xi32, #tpu.memory_space<vmem>> -> memref<1x128xi32, #tpu.memory_space<vmem>>
    %dma_start3A_8 = tpu.memref_squeeze %dma_start3A_7 : memref<1x128xi32, #tpu.memory_space<vmem>> -> memref<128xi32, #tpu.memory_space<vmem>>
    %dma_start3A_9 = arith.constant 0 : i32
    %dma_start3A_10 = arith.constant 0 : i32
    %dma_start3A_11 = tpu.memref_slice %arg4[%dma_start3A_9, %dma_start3A_10] : memref<500000x128xf32, #tpu.memory_space<hbm>> -> memref<500000x128xf32, #tpu.memory_space<hbm>>
    tpu.enqueue_indirect_dma source(%dma_start3A_11 : memref<500000x128xf32, #tpu.memory_space<hbm>>) target(%dma_start3A_5 : memref<128x128xf32, #tpu.memory_space<vmem>>) offsets(%dma_start3A_8 : memref<128xi32, #tpu.memory_space<vmem>>) semaphore(%arg12 : memref<!tpu.dma_semaphore, #tpu.memory_space<semaphore_mem>>)
    %dma_start3A_12 = arith.constant 0 : i32
    %dma_start3A_13 = arith.constant 0 : i32
    %dma_start3A_14 = arith.constant 0 : i32
    %dma_start3A_15 = arith.constant 0 : i32
    %dma_start3A_16 = tpu.memref_slice %arg11[%dma_start3A_13, %dma_start3A_14, %dma_start3A_15] : memref<2x128x128xf32, #tpu.memory_space<vmem>> -> memref<1x128x128xf32, #tpu.memory_space<vmem>>
    %dma_start3A_17 = tpu.memref_squeeze %dma_start3A_16 : memref<1x128x128xf32, #tpu.memory_space<vmem>> -> memref<128x128xf32, #tpu.memory_space<vmem>>
    %dma_start3A_18 = arith.constant 0 : i32
    %dma_start3A_19 = tpu.memref_slice %arg9[%dma_start3A_12, %dma_start3A_18] : memref<4x128xi32, #tpu.memory_space<vmem>> -> memref<1x128xi32, #tpu.memory_space<vmem>>
    %dma_start3A_20 = tpu.memref_squeeze %dma_start3A_19 : memref<1x128xi32, #tpu.memory_space<vmem>> -> memref<128xi32, #tpu.memory_space<vmem>>
    %dma_start3A_21 = arith.constant 0 : i32
    %dma_start3A_22 = arith.constant 0 : i32
    %dma_start3A_23 = tpu.memref_slice %arg5[%dma_start3A_21, %dma_start3A_22] : memref<50000x128xf32, #tpu.memory_space<hbm>> -> memref<50000x128xf32, #tpu.memory_space<hbm>>
    tpu.enqueue_indirect_dma source(%dma_start3A_23 : memref<50000x128xf32, #tpu.memory_space<hbm>>) target(%dma_start3A_17 : memref<128x128xf32, #tpu.memory_space<vmem>>) offsets(%dma_start3A_20 : memref<128xi32, #tpu.memory_space<vmem>>) semaphore(%arg12 : memref<!tpu.dma_semaphore, #tpu.memory_space<semaphore_mem>>)
    %dma_start3A_24 = arith.constant 1 : i32
    %dma_start3A_25 = arith.constant 1 : i32
    %dma_start3A_26 = arith.constant 0 : i32
    %dma_start3A_27 = arith.constant 0 : i32
    %dma_start3A_28 = tpu.memref_slice %arg10[%dma_start3A_25, %dma_start3A_26, %dma_start3A_27] : memref<2x128x128xf32, #tpu.memory_space<vmem>> -> memref<1x128x128xf32, #tpu.memory_space<vmem>>
    %dma_start3A_29 = tpu.memref_squeeze %dma_start3A_28 : memref<1x128x128xf32, #tpu.memory_space<vmem>> -> memref<128x128xf32, #tpu.memory_space<vmem>>
    %dma_start3A_30 = arith.constant 0 : i32
    %dma_start3A_31 = tpu.memref_slice %arg8[%dma_start3A_24, %dma_start3A_30] : memref<4x128xi32, #tpu.memory_space<vmem>> -> memref<1x128xi32, #tpu.memory_space<vmem>>
    %dma_start3A_32 = tpu.memref_squeeze %dma_start3A_31 : memref<1x128xi32, #tpu.memory_space<vmem>> -> memref<128xi32, #tpu.memory_space<vmem>>
    %dma_start3A_33 = arith.constant 0 : i32
    %dma_start3A_34 = arith.constant 0 : i32
    %dma_start3A_35 = tpu.memref_slice %arg4[%dma_start3A_33, %dma_start3A_34] : memref<500000x128xf32, #tpu.memory_space<hbm>> -> memref<500000x128xf32, #tpu.memory_space<hbm>>
    tpu.enqueue_indirect_dma source(%dma_start3A_35 : memref<500000x128xf32, #tpu.memory_space<hbm>>) target(%dma_start3A_29 : memref<128x128xf32, #tpu.memory_space<vmem>>) offsets(%dma_start3A_32 : memref<128xi32, #tpu.memory_space<vmem>>) semaphore(%arg12 : memref<!tpu.dma_semaphore, #tpu.memory_space<semaphore_mem>>)
    %dma_start3A_36 = arith.constant 1 : i32
    %dma_start3A_37 = arith.constant 1 : i32
    %dma_start3A_38 = arith.constant 0 : i32
    %dma_start3A_39 = arith.constant 0 : i32
    %dma_start3A_40 = tpu.memref_slice %arg11[%dma_start3A_37, %dma_start3A_38, %dma_start3A_39] : memref<2x128x128xf32, #tpu.memory_space<vmem>> -> memref<1x128x128xf32, #tpu.memory_space<vmem>>
    %dma_start3A_41 = tpu.memref_squeeze %dma_start3A_40 : memref<1x128x128xf32, #tpu.memory_space<vmem>> -> memref<128x128xf32, #tpu.memory_space<vmem>>
    %dma_start3A_42 = arith.constant 0 : i32
    %dma_start3A_43 = tpu.memref_slice %arg9[%dma_start3A_36, %dma_start3A_42] : memref<4x128xi32, #tpu.memory_space<vmem>> -> memref<1x128xi32, #tpu.memory_space<vmem>>
    %dma_start3A_44 = tpu.memref_squeeze %dma_start3A_43 : memref<1x128xi32, #tpu.memory_space<vmem>> -> memref<128xi32, #tpu.memory_space<vmem>>
    %dma_start3A_45 = arith.constant 0 : i32
    %dma_start3A_46 = arith.constant 0 : i32
    %dma_start3A_47 = tpu.memref_slice %arg5[%dma_start3A_45, %dma_start3A_46] : memref<50000x128xf32, #tpu.memory_space<hbm>> -> memref<50000x128xf32, #tpu.memory_space<hbm>>
    tpu.enqueue_indirect_dma source(%dma_start3A_47 : memref<50000x128xf32, #tpu.memory_space<hbm>>) target(%dma_start3A_41 : memref<128x128xf32, #tpu.memory_space<vmem>>) offsets(%dma_start3A_44 : memref<128xi32, #tpu.memory_space<vmem>>) semaphore(%arg12 : memref<!tpu.dma_semaphore, #tpu.memory_space<semaphore_mem>>)
    %dma_wait3A = arith.constant 0 : i32
    %dma_wait3A_48 = arith.constant 0 : i32
    %dma_wait3A_49 = arith.constant 0 : i32
    %dma_wait3A_50 = arith.constant 0 : i32
    %dma_wait3A_51 = tpu.memref_slice %arg10[%dma_wait3A_48, %dma_wait3A_49, %dma_wait3A_50] : memref<2x128x128xf32, #tpu.memory_space<vmem>> -> memref<1x128x128xf32, #tpu.memory_space<vmem>>
    %dma_wait3A_52 = tpu.memref_squeeze %dma_wait3A_51 : memref<1x128x128xf32, #tpu.memory_space<vmem>> -> memref<128x128xf32, #tpu.memory_space<vmem>>
    %dma_wait3A_53 = arith.constant 0 : i32
    %dma_wait3A_54 = tpu.memref_slice %arg8[%dma_wait3A, %dma_wait3A_53] : memref<4x128xi32, #tpu.memory_space<vmem>> -> memref<1x128xi32, #tpu.memory_space<vmem>>
    %dma_wait3A_55 = tpu.memref_squeeze %dma_wait3A_54 : memref<1x128xi32, #tpu.memory_space<vmem>> -> memref<128xi32, #tpu.memory_space<vmem>>
    %dma_wait3A_56 = arith.constant 0 : i32
    %dma_wait3A_57 = arith.constant 0 : i32
    %dma_wait3A_58 = tpu.memref_slice %arg4[%dma_wait3A_56, %dma_wait3A_57] : memref<500000x128xf32, #tpu.memory_space<hbm>> -> memref<500000x128xf32, #tpu.memory_space<hbm>>
    tpu.wait_indirect_dma semaphore(%arg12 : memref<!tpu.dma_semaphore, #tpu.memory_space<semaphore_mem>>) src(%dma_wait3A_58 : memref<500000x128xf32, #tpu.memory_space<hbm>>) dst(%dma_wait3A_52 : memref<128x128xf32, #tpu.memory_space<vmem>>)
    %dma_wait3A_59 = arith.constant 0 : i32
    %dma_wait3A_60 = arith.constant 0 : i32
    %dma_wait3A_61 = arith.constant 0 : i32
    %dma_wait3A_62 = arith.constant 0 : i32
    %dma_wait3A_63 = tpu.memref_slice %arg11[%dma_wait3A_60, %dma_wait3A_61, %dma_wait3A_62] : memref<2x128x128xf32, #tpu.memory_space<vmem>> -> memref<1x128x128xf32, #tpu.memory_space<vmem>>
    %dma_wait3A_64 = tpu.memref_squeeze %dma_wait3A_63 : memref<1x128x128xf32, #tpu.memory_space<vmem>> -> memref<128x128xf32, #tpu.memory_space<vmem>>
    %dma_wait3A_65 = arith.constant 0 : i32
    %dma_wait3A_66 = tpu.memref_slice %arg9[%dma_wait3A_59, %dma_wait3A_65] : memref<4x128xi32, #tpu.memory_space<vmem>> -> memref<1x128xi32, #tpu.memory_space<vmem>>
    %dma_wait3A_67 = tpu.memref_squeeze %dma_wait3A_66 : memref<1x128xi32, #tpu.memory_space<vmem>> -> memref<128xi32, #tpu.memory_space<vmem>>
    %dma_wait3A_68 = arith.constant 0 : i32
    %dma_wait3A_69 = arith.constant 0 : i32
    %dma_wait3A_70 = tpu.memref_slice %arg5[%dma_wait3A_68, %dma_wait3A_69] : memref<50000x128xf32, #tpu.memory_space<hbm>> -> memref<50000x128xf32, #tpu.memory_space<hbm>>
    tpu.wait_indirect_dma semaphore(%arg12 : memref<!tpu.dma_semaphore, #tpu.memory_space<semaphore_mem>>) src(%dma_wait3A_70 : memref<50000x128xf32, #tpu.memory_space<hbm>>) dst(%dma_wait3A_64 : memref<128x128xf32, #tpu.memory_space<vmem>>)
    %mul3A_71 = arith.constant 4 : i32
    %mul3A_72 = arith.muli %add3A, %mul3A_71 : i32
    %add3A_73 = arith.constant 0 : i32
    %add3A_74 = arith.addi %mul3A_72, %add3A_73 : i32
    %mul3A_75 = arith.constant 128 : i32
    %mul3A_76 = arith.muli %add3A_74, %mul3A_75 : i32
    %run_scoped3A = arith.constant 0 : i32
    "tpu.region"() ({
      %run_scoped3A_222 = tpu.sem_alloc : memref<!tpu.dma_semaphore, #tpu.memory_space<semaphore_mem>>
      %dma_start3A_223 = arith.constant 0 : i32
      %dma_start3A_224 = arith.constant 0 : i32
      %dma_start3A_225 = tpu.memref_slice %arg10[%run_scoped3A, %dma_start3A_223, %dma_start3A_224] : memref<2x128x128xf32, #tpu.memory_space<vmem>> -> memref<1x128x128xf32, #tpu.memory_space<vmem>>
      %dma_start3A_226 = tpu.memref_squeeze %dma_start3A_225 : memref<1x128x128xf32, #tpu.memory_space<vmem>> -> memref<128x128xf32, #tpu.memory_space<vmem>>
      %dma_start3A_227 = arith.constant 0 : i32
      %dma_start3A_228 = tpu.memref_slice %arg6[%mul3A_76, %dma_start3A_227] : memref<16384x128xf32, #tpu.memory_space<hbm>> -> memref<128x128xf32, #tpu.memory_space<hbm>>
      %dma_start3A_229 = arith.constant 0 : i32
      %dma_start3A_230 = tpu.memref_slice %arg6[%mul3A_76, %dma_start3A_229] : memref<16384x128xf32, #tpu.memory_space<hbm>> -> memref<128x128xf32, #tpu.memory_space<hbm>>
      %dma_start3A_231 = arith.constant 0 : i32
      %dma_start3A_232 = arith.constant 0 : i32
      %dma_start3A_233 = tpu.memref_slice %arg10[%run_scoped3A, %dma_start3A_231, %dma_start3A_232] : memref<2x128x128xf32, #tpu.memory_space<vmem>> -> memref<1x128x128xf32, #tpu.memory_space<vmem>>
      %dma_start3A_234 = tpu.memref_squeeze %dma_start3A_233 : memref<1x128x128xf32, #tpu.memory_space<vmem>> -> memref<128x128xf32, #tpu.memory_space<vmem>>
      tpu.enqueue_dma source(%dma_start3A_234 : memref<128x128xf32, #tpu.memory_space<vmem>>) target(%dma_start3A_230 : memref<128x128xf32, #tpu.memory_space<hbm>>) target_semaphore(%run_scoped3A_222 : memref<!tpu.dma_semaphore, #tpu.memory_space<semaphore_mem>>)
      %dma_wait3A_235 = arith.constant 0 : i32
      %dma_wait3A_236 = arith.constant 0 : i32
      %dma_wait3A_237 = tpu.memref_slice %arg10[%run_scoped3A, %dma_wait3A_235, %dma_wait3A_236] : memref<2x128x128xf32, #tpu.memory_space<vmem>> -> memref<1x128x128xf32, #tpu.memory_space<vmem>>
      %dma_wait3A_238 = tpu.memref_squeeze %dma_wait3A_237 : memref<1x128x128xf32, #tpu.memory_space<vmem>> -> memref<128x128xf32, #tpu.memory_space<vmem>>
      %dma_wait3A_239 = arith.constant 0 : i32
      %dma_wait3A_240 = tpu.memref_slice %arg6[%mul3A_76, %dma_wait3A_239] : memref<16384x128xf32, #tpu.memory_space<hbm>> -> memref<128x128xf32, #tpu.memory_space<hbm>>
      %dma_wait3A_241 = arith.constant 0 : i32
      %dma_wait3A_242 = tpu.memref_slice %arg6[%mul3A_76, %dma_wait3A_241] : memref<16384x128xf32, #tpu.memory_space<hbm>> -> memref<128x128xf32, #tpu.memory_space<hbm>>
      %dma_wait3A_243 = arith.constant 0 : i32
      %dma_wait3A_244 = arith.constant 0 : i32
      %dma_wait3A_245 = tpu.memref_slice %arg10[%run_scoped3A, %dma_wait3A_243, %dma_wait3A_244] : memref<2x128x128xf32, #tpu.memory_space<vmem>> -> memref<1x128x128xf32, #tpu.memory_space<vmem>>
      %dma_wait3A_246 = tpu.memref_squeeze %dma_wait3A_245 : memref<1x128x128xf32, #tpu.memory_space<vmem>> -> memref<128x128xf32, #tpu.memory_space<vmem>>
      tpu.wait_dma2 semaphore(%run_scoped3A_222 : memref<!tpu.dma_semaphore, #tpu.memory_space<semaphore_mem>>) src(%dma_wait3A_246 : memref<128x128xf32, #tpu.memory_space<vmem>>) dst(%dma_wait3A_242 : memref<128x128xf32, #tpu.memory_space<hbm>>)
      tpu.yield
    }) : () -> ()
    %run_scoped3A_77 = arith.constant 0 : i32
    "tpu.region"() ({
      %run_scoped3A_222 = tpu.sem_alloc : memref<!tpu.dma_semaphore, #tpu.memory_space<semaphore_mem>>
      %dma_start3A_223 = arith.constant 0 : i32
      %dma_start3A_224 = arith.constant 0 : i32
      %dma_start3A_225 = tpu.memref_slice %arg11[%run_scoped3A_77, %dma_start3A_223, %dma_start3A_224] : memref<2x128x128xf32, #tpu.memory_space<vmem>> -> memref<1x128x128xf32, #tpu.memory_space<vmem>>
      %dma_start3A_226 = tpu.memref_squeeze %dma_start3A_225 : memref<1x128x128xf32, #tpu.memory_space<vmem>> -> memref<128x128xf32, #tpu.memory_space<vmem>>
      %dma_start3A_227 = arith.constant 0 : i32
      %dma_start3A_228 = tpu.memref_slice %arg7[%mul3A_76, %dma_start3A_227] : memref<16384x128xf32, #tpu.memory_space<hbm>> -> memref<128x128xf32, #tpu.memory_space<hbm>>
      %dma_start3A_229 = arith.constant 0 : i32
      %dma_start3A_230 = tpu.memref_slice %arg7[%mul3A_76, %dma_start3A_229] : memref<16384x128xf32, #tpu.memory_space<hbm>> -> memref<128x128xf32, #tpu.memory_space<hbm>>
      %dma_start3A_231 = arith.constant 0 : i32
      %dma_start3A_232 = arith.constant 0 : i32
      %dma_start3A_233 = tpu.memref_slice %arg11[%run_scoped3A_77, %dma_start3A_231, %dma_start3A_232] : memref<2x128x128xf32, #tpu.memory_space<vmem>> -> memref<1x128x128xf32, #tpu.memory_space<vmem>>
      %dma_start3A_234 = tpu.memref_squeeze %dma_start3A_233 : memref<1x128x128xf32, #tpu.memory_space<vmem>> -> memref<128x128xf32, #tpu.memory_space<vmem>>
      tpu.enqueue_dma source(%dma_start3A_234 : memref<128x128xf32, #tpu.memory_space<vmem>>) target(%dma_start3A_230 : memref<128x128xf32, #tpu.memory_space<hbm>>) target_semaphore(%run_scoped3A_222 : memref<!tpu.dma_semaphore, #tpu.memory_space<semaphore_mem>>)
      %dma_wait3A_235 = arith.constant 0 : i32
      %dma_wait3A_236 = arith.constant 0 : i32
      %dma_wait3A_237 = tpu.memref_slice %arg11[%run_scoped3A_77, %dma_wait3A_235, %dma_wait3A_236] : memref<2x128x128xf32, #tpu.memory_space<vmem>> -> memref<1x128x128xf32, #tpu.memory_space<vmem>>
      %dma_wait3A_238 = tpu.memref_squeeze %dma_wait3A_237 : memref<1x128x128xf32, #tpu.memory_space<vmem>> -> memref<128x128xf32, #tpu.memory_space<vmem>>
      %dma_wait3A_239 = arith.constant 0 : i32
      %dma_wait3A_240 = tpu.memref_slice %arg7[%mul3A_76, %dma_wait3A_239] : memref<16384x128xf32, #tpu.memory_space<hbm>> -> memref<128x128xf32, #tpu.memory_space<hbm>>
      %dma_wait3A_241 = arith.constant 0 : i32
      %dma_wait3A_242 = tpu.memref_slice %arg7[%mul3A_76, %dma_wait3A_241] : memref<16384x128xf32, #tpu.memory_space<hbm>> -> memref<128x128xf32, #tpu.memory_space<hbm>>
      %dma_wait3A_243 = arith.constant 0 : i32
      %dma_wait3A_244 = arith.constant 0 : i32
      %dma_wait3A_245 = tpu.memref_slice %arg11[%run_scoped3A_77, %dma_wait3A_243, %dma_wait3A_244] : memref<2x128x128xf32, #tpu.memory_space<vmem>> -> memref<1x128x128xf32, #tpu.memory_space<vmem>>
      %dma_wait3A_246 = tpu.memref_squeeze %dma_wait3A_245 : memref<1x128x128xf32, #tpu.memory_space<vmem>> -> memref<128x128xf32, #tpu.memory_space<vmem>>
      tpu.wait_dma2 semaphore(%run_scoped3A_222 : memref<!tpu.dma_semaphore, #tpu.memory_space<semaphore_mem>>) src(%dma_wait3A_246 : memref<128x128xf32, #tpu.memory_space<vmem>>) dst(%dma_wait3A_242 : memref<128x128xf32, #tpu.memory_space<hbm>>)
      tpu.yield
    }) : () -> ()
    %dma_start3A_78 = arith.constant 2 : i32
    %dma_start3A_79 = arith.constant 0 : i32
    %dma_start3A_80 = arith.constant 0 : i32
    %dma_start3A_81 = arith.constant 0 : i32
    %dma_start3A_82 = tpu.memref_slice %arg10[%dma_start3A_79, %dma_start3A_80, %dma_start3A_81] : memref<2x128x128xf32, #tpu.memory_space<vmem>> -> memref<1x128x128xf32, #tpu.memory_space<vmem>>
    %dma_start3A_83 = tpu.memref_squeeze %dma_start3A_82 : memref<1x128x128xf32, #tpu.memory_space<vmem>> -> memref<128x128xf32, #tpu.memory_space<vmem>>
    %dma_start3A_84 = arith.constant 0 : i32
    %dma_start3A_85 = tpu.memref_slice %arg8[%dma_start3A_78, %dma_start3A_84] : memref<4x128xi32, #tpu.memory_space<vmem>> -> memref<1x128xi32, #tpu.memory_space<vmem>>
    %dma_start3A_86 = tpu.memref_squeeze %dma_start3A_85 : memref<1x128xi32, #tpu.memory_space<vmem>> -> memref<128xi32, #tpu.memory_space<vmem>>
    %dma_start3A_87 = arith.constant 0 : i32
    %dma_start3A_88 = arith.constant 0 : i32
    %dma_start3A_89 = tpu.memref_slice %arg4[%dma_start3A_87, %dma_start3A_88] : memref<500000x128xf32, #tpu.memory_space<hbm>> -> memref<500000x128xf32, #tpu.memory_space<hbm>>
    tpu.enqueue_indirect_dma source(%dma_start3A_89 : memref<500000x128xf32, #tpu.memory_space<hbm>>) target(%dma_start3A_83 : memref<128x128xf32, #tpu.memory_space<vmem>>) offsets(%dma_start3A_86 : memref<128xi32, #tpu.memory_space<vmem>>) semaphore(%arg12 : memref<!tpu.dma_semaphore, #tpu.memory_space<semaphore_mem>>)
    %dma_start3A_90 = arith.constant 2 : i32
    %dma_start3A_91 = arith.constant 0 : i32
    %dma_start3A_92 = arith.constant 0 : i32
    %dma_start3A_93 = arith.constant 0 : i32
    %dma_start3A_94 = tpu.memref_slice %arg11[%dma_start3A_91, %dma_start3A_92, %dma_start3A_93] : memref<2x128x128xf32, #tpu.memory_space<vmem>> -> memref<1x128x128xf32, #tpu.memory_space<vmem>>
    %dma_start3A_95 = tpu.memref_squeeze %dma_start3A_94 : memref<1x128x128xf32, #tpu.memory_space<vmem>> -> memref<128x128xf32, #tpu.memory_space<vmem>>
    %dma_start3A_96 = arith.constant 0 : i32
    %dma_start3A_97 = tpu.memref_slice %arg9[%dma_start3A_90, %dma_start3A_96] : memref<4x128xi32, #tpu.memory_space<vmem>> -> memref<1x128xi32, #tpu.memory_space<vmem>>
    %dma_start3A_98 = tpu.memref_squeeze %dma_start3A_97 : memref<1x128xi32, #tpu.memory_space<vmem>> -> memref<128xi32, #tpu.memory_space<vmem>>
    %dma_start3A_99 = arith.constant 0 : i32
    %dma_start3A_100 = arith.constant 0 : i32
    %dma_start3A_101 = tpu.memref_slice %arg5[%dma_start3A_99, %dma_start3A_100] : memref<50000x128xf32, #tpu.memory_space<hbm>> -> memref<50000x128xf32, #tpu.memory_space<hbm>>
    tpu.enqueue_indirect_dma source(%dma_start3A_101 : memref<50000x128xf32, #tpu.memory_space<hbm>>) target(%dma_start3A_95 : memref<128x128xf32, #tpu.memory_space<vmem>>) offsets(%dma_start3A_98 : memref<128xi32, #tpu.memory_space<vmem>>) semaphore(%arg12 : memref<!tpu.dma_semaphore, #tpu.memory_space<semaphore_mem>>)
    %dma_wait3A_102 = arith.constant 1 : i32
    %dma_wait3A_103 = arith.constant 1 : i32
    %dma_wait3A_104 = arith.constant 0 : i32
    %dma_wait3A_105 = arith.constant 0 : i32
    %dma_wait3A_106 = tpu.memref_slice %arg10[%dma_wait3A_103, %dma_wait3A_104, %dma_wait3A_105] : memref<2x128x128xf32, #tpu.memory_space<vmem>> -> memref<1x128x128xf32, #tpu.memory_space<vmem>>
    %dma_wait3A_107 = tpu.memref_squeeze %dma_wait3A_106 : memref<1x128x128xf32, #tpu.memory_space<vmem>> -> memref<128x128xf32, #tpu.memory_space<vmem>>
    %dma_wait3A_108 = arith.constant 0 : i32
    %dma_wait3A_109 = tpu.memref_slice %arg8[%dma_wait3A_102, %dma_wait3A_108] : memref<4x128xi32, #tpu.memory_space<vmem>> -> memref<1x128xi32, #tpu.memory_space<vmem>>
    %dma_wait3A_110 = tpu.memref_squeeze %dma_wait3A_109 : memref<1x128xi32, #tpu.memory_space<vmem>> -> memref<128xi32, #tpu.memory_space<vmem>>
    %dma_wait3A_111 = arith.constant 0 : i32
    %dma_wait3A_112 = arith.constant 0 : i32
    %dma_wait3A_113 = tpu.memref_slice %arg4[%dma_wait3A_111, %dma_wait3A_112] : memref<500000x128xf32, #tpu.memory_space<hbm>> -> memref<500000x128xf32, #tpu.memory_space<hbm>>
    tpu.wait_indirect_dma semaphore(%arg12 : memref<!tpu.dma_semaphore, #tpu.memory_space<semaphore_mem>>) src(%dma_wait3A_113 : memref<500000x128xf32, #tpu.memory_space<hbm>>) dst(%dma_wait3A_107 : memref<128x128xf32, #tpu.memory_space<vmem>>)
    %dma_wait3A_114 = arith.constant 1 : i32
    %dma_wait3A_115 = arith.constant 1 : i32
    %dma_wait3A_116 = arith.constant 0 : i32
    %dma_wait3A_117 = arith.constant 0 : i32
    %dma_wait3A_118 = tpu.memref_slice %arg11[%dma_wait3A_115, %dma_wait3A_116, %dma_wait3A_117] : memref<2x128x128xf32, #tpu.memory_space<vmem>> -> memref<1x128x128xf32, #tpu.memory_space<vmem>>
    %dma_wait3A_119 = tpu.memref_squeeze %dma_wait3A_118 : memref<1x128x128xf32, #tpu.memory_space<vmem>> -> memref<128x128xf32, #tpu.memory_space<vmem>>
    %dma_wait3A_120 = arith.constant 0 : i32
    %dma_wait3A_121 = tpu.memref_slice %arg9[%dma_wait3A_114, %dma_wait3A_120] : memref<4x128xi32, #tpu.memory_space<vmem>> -> memref<1x128xi32, #tpu.memory_space<vmem>>
    %dma_wait3A_122 = tpu.memref_squeeze %dma_wait3A_121 : memref<1x128xi32, #tpu.memory_space<vmem>> -> memref<128xi32, #tpu.memory_space<vmem>>
    %dma_wait3A_123 = arith.constant 0 : i32
    %dma_wait3A_124 = arith.constant 0 : i32
    %dma_wait3A_125 = tpu.memref_slice %arg5[%dma_wait3A_123, %dma_wait3A_124] : memref<50000x128xf32, #tpu.memory_space<hbm>> -> memref<50000x128xf32, #tpu.memory_space<hbm>>
    tpu.wait_indirect_dma semaphore(%arg12 : memref<!tpu.dma_semaphore, #tpu.memory_space<semaphore_mem>>) src(%dma_wait3A_125 : memref<50000x128xf32, #tpu.memory_space<hbm>>) dst(%dma_wait3A_119 : memref<128x128xf32, #tpu.memory_space<vmem>>)
    %mul3A_126 = arith.constant 4 : i32
    %mul3A_127 = arith.muli %add3A, %mul3A_126 : i32
    %add3A_128 = arith.constant 1 : i32
    %add3A_129 = arith.addi %mul3A_127, %add3A_128 : i32
    %mul3A_130 = arith.constant 128 : i32
    %mul3A_131 = arith.muli %add3A_129, %mul3A_130 : i32
    %run_scoped3A_132 = arith.constant 1 : i32
    "tpu.region"() ({
      %run_scoped3A_222 = tpu.sem_alloc : memref<!tpu.dma_semaphore, #tpu.memory_space<semaphore_mem>>
      %dma_start3A_223 = arith.constant 0 : i32
      %dma_start3A_224 = arith.constant 0 : i32
      %dma_start3A_225 = tpu.memref_slice %arg10[%run_scoped3A_132, %dma_start3A_223, %dma_start3A_224] : memref<2x128x128xf32, #tpu.memory_space<vmem>> -> memref<1x128x128xf32, #tpu.memory_space<vmem>>
      %dma_start3A_226 = tpu.memref_squeeze %dma_start3A_225 : memref<1x128x128xf32, #tpu.memory_space<vmem>> -> memref<128x128xf32, #tpu.memory_space<vmem>>
      %dma_start3A_227 = arith.constant 0 : i32
      %dma_start3A_228 = tpu.memref_slice %arg6[%mul3A_131, %dma_start3A_227] : memref<16384x128xf32, #tpu.memory_space<hbm>> -> memref<128x128xf32, #tpu.memory_space<hbm>>
      %dma_start3A_229 = arith.constant 0 : i32
      %dma_start3A_230 = tpu.memref_slice %arg6[%mul3A_131, %dma_start3A_229] : memref<16384x128xf32, #tpu.memory_space<hbm>> -> memref<128x128xf32, #tpu.memory_space<hbm>>
      %dma_start3A_231 = arith.constant 0 : i32
      %dma_start3A_232 = arith.constant 0 : i32
      %dma_start3A_233 = tpu.memref_slice %arg10[%run_scoped3A_132, %dma_start3A_231, %dma_start3A_232] : memref<2x128x128xf32, #tpu.memory_space<vmem>> -> memref<1x128x128xf32, #tpu.memory_space<vmem>>
      %dma_start3A_234 = tpu.memref_squeeze %dma_start3A_233 : memref<1x128x128xf32, #tpu.memory_space<vmem>> -> memref<128x128xf32, #tpu.memory_space<vmem>>
      tpu.enqueue_dma source(%dma_start3A_234 : memref<128x128xf32, #tpu.memory_space<vmem>>) target(%dma_start3A_230 : memref<128x128xf32, #tpu.memory_space<hbm>>) target_semaphore(%run_scoped3A_222 : memref<!tpu.dma_semaphore, #tpu.memory_space<semaphore_mem>>)
      %dma_wait3A_235 = arith.constant 0 : i32
      %dma_wait3A_236 = arith.constant 0 : i32
      %dma_wait3A_237 = tpu.memref_slice %arg10[%run_scoped3A_132, %dma_wait3A_235, %dma_wait3A_236] : memref<2x128x128xf32, #tpu.memory_space<vmem>> -> memref<1x128x128xf32, #tpu.memory_space<vmem>>
      %dma_wait3A_238 = tpu.memref_squeeze %dma_wait3A_237 : memref<1x128x128xf32, #tpu.memory_space<vmem>> -> memref<128x128xf32, #tpu.memory_space<vmem>>
      %dma_wait3A_239 = arith.constant 0 : i32
      %dma_wait3A_240 = tpu.memref_slice %arg6[%mul3A_131, %dma_wait3A_239] : memref<16384x128xf32, #tpu.memory_space<hbm>> -> memref<128x128xf32, #tpu.memory_space<hbm>>
      %dma_wait3A_241 = arith.constant 0 : i32
      %dma_wait3A_242 = tpu.memref_slice %arg6[%mul3A_131, %dma_wait3A_241] : memref<16384x128xf32, #tpu.memory_space<hbm>> -> memref<128x128xf32, #tpu.memory_space<hbm>>
      %dma_wait3A_243 = arith.constant 0 : i32
      %dma_wait3A_244 = arith.constant 0 : i32
      %dma_wait3A_245 = tpu.memref_slice %arg10[%run_scoped3A_132, %dma_wait3A_243, %dma_wait3A_244] : memref<2x128x128xf32, #tpu.memory_space<vmem>> -> memref<1x128x128xf32, #tpu.memory_space<vmem>>
      %dma_wait3A_246 = tpu.memref_squeeze %dma_wait3A_245 : memref<1x128x128xf32, #tpu.memory_space<vmem>> -> memref<128x128xf32, #tpu.memory_space<vmem>>
      tpu.wait_dma2 semaphore(%run_scoped3A_222 : memref<!tpu.dma_semaphore, #tpu.memory_space<semaphore_mem>>) src(%dma_wait3A_246 : memref<128x128xf32, #tpu.memory_space<vmem>>) dst(%dma_wait3A_242 : memref<128x128xf32, #tpu.memory_space<hbm>>)
      tpu.yield
    }) : () -> ()
    %run_scoped3A_133 = arith.constant 1 : i32
    "tpu.region"() ({
      %run_scoped3A_222 = tpu.sem_alloc : memref<!tpu.dma_semaphore, #tpu.memory_space<semaphore_mem>>
      %dma_start3A_223 = arith.constant 0 : i32
      %dma_start3A_224 = arith.constant 0 : i32
      %dma_start3A_225 = tpu.memref_slice %arg11[%run_scoped3A_133, %dma_start3A_223, %dma_start3A_224] : memref<2x128x128xf32, #tpu.memory_space<vmem>> -> memref<1x128x128xf32, #tpu.memory_space<vmem>>
      %dma_start3A_226 = tpu.memref_squeeze %dma_start3A_225 : memref<1x128x128xf32, #tpu.memory_space<vmem>> -> memref<128x128xf32, #tpu.memory_space<vmem>>
      %dma_start3A_227 = arith.constant 0 : i32
      %dma_start3A_228 = tpu.memref_slice %arg7[%mul3A_131, %dma_start3A_227] : memref<16384x128xf32, #tpu.memory_space<hbm>> -> memref<128x128xf32, #tpu.memory_space<hbm>>
      %dma_start3A_229 = arith.constant 0 : i32
      %dma_start3A_230 = tpu.memref_slice %arg7[%mul3A_131, %dma_start3A_229] : memref<16384x128xf32, #tpu.memory_space<hbm>> -> memref<128x128xf32, #tpu.memory_space<hbm>>
      %dma_start3A_231 = arith.constant 0 : i32
      %dma_start3A_232 = arith.constant 0 : i32
      %dma_start3A_233 = tpu.memref_slice %arg11[%run_scoped3A_133, %dma_start3A_231, %dma_start3A_232] : memref<2x128x128xf32, #tpu.memory_space<vmem>> -> memref<1x128x128xf32, #tpu.memory_space<vmem>>
      %dma_start3A_234 = tpu.memref_squeeze %dma_start3A_233 : memref<1x128x128xf32, #tpu.memory_space<vmem>> -> memref<128x128xf32, #tpu.memory_space<vmem>>
      tpu.enqueue_dma source(%dma_start3A_234 : memref<128x128xf32, #tpu.memory_space<vmem>>) target(%dma_start3A_230 : memref<128x128xf32, #tpu.memory_space<hbm>>) target_semaphore(%run_scoped3A_222 : memref<!tpu.dma_semaphore, #tpu.memory_space<semaphore_mem>>)
      %dma_wait3A_235 = arith.constant 0 : i32
      %dma_wait3A_236 = arith.constant 0 : i32
      %dma_wait3A_237 = tpu.memref_slice %arg11[%run_scoped3A_133, %dma_wait3A_235, %dma_wait3A_236] : memref<2x128x128xf32, #tpu.memory_space<vmem>> -> memref<1x128x128xf32, #tpu.memory_space<vmem>>
      %dma_wait3A_238 = tpu.memref_squeeze %dma_wait3A_237 : memref<1x128x128xf32, #tpu.memory_space<vmem>> -> memref<128x128xf32, #tpu.memory_space<vmem>>
      %dma_wait3A_239 = arith.constant 0 : i32
      %dma_wait3A_240 = tpu.memref_slice %arg7[%mul3A_131, %dma_wait3A_239] : memref<16384x128xf32, #tpu.memory_space<hbm>> -> memref<128x128xf32, #tpu.memory_space<hbm>>
      %dma_wait3A_241 = arith.constant 0 : i32
      %dma_wait3A_242 = tpu.memref_slice %arg7[%mul3A_131, %dma_wait3A_241] : memref<16384x128xf32, #tpu.memory_space<hbm>> -> memref<128x128xf32, #tpu.memory_space<hbm>>
      %dma_wait3A_243 = arith.constant 0 : i32
      %dma_wait3A_244 = arith.constant 0 : i32
      %dma_wait3A_245 = tpu.memref_slice %arg11[%run_scoped3A_133, %dma_wait3A_243, %dma_wait3A_244] : memref<2x128x128xf32, #tpu.memory_space<vmem>> -> memref<1x128x128xf32, #tpu.memory_space<vmem>>
      %dma_wait3A_246 = tpu.memref_squeeze %dma_wait3A_245 : memref<1x128x128xf32, #tpu.memory_space<vmem>> -> memref<128x128xf32, #tpu.memory_space<vmem>>
      tpu.wait_dma2 semaphore(%run_scoped3A_222 : memref<!tpu.dma_semaphore, #tpu.memory_space<semaphore_mem>>) src(%dma_wait3A_246 : memref<128x128xf32, #tpu.memory_space<vmem>>) dst(%dma_wait3A_242 : memref<128x128xf32, #tpu.memory_space<hbm>>)
      tpu.yield
    }) : () -> ()
    %dma_start3A_134 = arith.constant 3 : i32
    %dma_start3A_135 = arith.constant 1 : i32
    %dma_start3A_136 = arith.constant 0 : i32
    %dma_start3A_137 = arith.constant 0 : i32
    %dma_start3A_138 = tpu.memref_slice %arg10[%dma_start3A_135, %dma_start3A_136, %dma_start3A_137] : memref<2x128x128xf32, #tpu.memory_space<vmem>> -> memref<1x128x128xf32, #tpu.memory_space<vmem>>
    %dma_start3A_139 = tpu.memref_squeeze %dma_start3A_138 : memref<1x128x128xf32, #tpu.memory_space<vmem>> -> memref<128x128xf32, #tpu.memory_space<vmem>>
    %dma_start3A_140 = arith.constant 0 : i32
    %dma_start3A_141 = tpu.memref_slice %arg8[%dma_start3A_134, %dma_start3A_140] : memref<4x128xi32, #tpu.memory_space<vmem>> -> memref<1x128xi32, #tpu.memory_space<vmem>>
    %dma_start3A_142 = tpu.memref_squeeze %dma_start3A_141 : memref<1x128xi32, #tpu.memory_space<vmem>> -> memref<128xi32, #tpu.memory_space<vmem>>
    %dma_start3A_143 = arith.constant 0 : i32
    %dma_start3A_144 = arith.constant 0 : i32
    %dma_start3A_145 = tpu.memref_slice %arg4[%dma_start3A_143, %dma_start3A_144] : memref<500000x128xf32, #tpu.memory_space<hbm>> -> memref<500000x128xf32, #tpu.memory_space<hbm>>
    tpu.enqueue_indirect_dma source(%dma_start3A_145 : memref<500000x128xf32, #tpu.memory_space<hbm>>) target(%dma_start3A_139 : memref<128x128xf32, #tpu.memory_space<vmem>>) offsets(%dma_start3A_142 : memref<128xi32, #tpu.memory_space<vmem>>) semaphore(%arg12 : memref<!tpu.dma_semaphore, #tpu.memory_space<semaphore_mem>>)
    %dma_start3A_146 = arith.constant 3 : i32
    %dma_start3A_147 = arith.constant 1 : i32
    %dma_start3A_148 = arith.constant 0 : i32
    %dma_start3A_149 = arith.constant 0 : i32
    %dma_start3A_150 = tpu.memref_slice %arg11[%dma_start3A_147, %dma_start3A_148, %dma_start3A_149] : memref<2x128x128xf32, #tpu.memory_space<vmem>> -> memref<1x128x128xf32, #tpu.memory_space<vmem>>
    %dma_start3A_151 = tpu.memref_squeeze %dma_start3A_150 : memref<1x128x128xf32, #tpu.memory_space<vmem>> -> memref<128x128xf32, #tpu.memory_space<vmem>>
    %dma_start3A_152 = arith.constant 0 : i32
    %dma_start3A_153 = tpu.memref_slice %arg9[%dma_start3A_146, %dma_start3A_152] : memref<4x128xi32, #tpu.memory_space<vmem>> -> memref<1x128xi32, #tpu.memory_space<vmem>>
    %dma_start3A_154 = tpu.memref_squeeze %dma_start3A_153 : memref<1x128xi32, #tpu.memory_space<vmem>> -> memref<128xi32, #tpu.memory_space<vmem>>
    %dma_start3A_155 = arith.constant 0 : i32
    %dma_start3A_156 = arith.constant 0 : i32
    %dma_start3A_157 = tpu.memref_slice %arg5[%dma_start3A_155, %dma_start3A_156] : memref<50000x128xf32, #tpu.memory_space<hbm>> -> memref<50000x128xf32, #tpu.memory_space<hbm>>
    tpu.enqueue_indirect_dma source(%dma_start3A_157 : memref<50000x128xf32, #tpu.memory_space<hbm>>) target(%dma_start3A_151 : memref<128x128xf32, #tpu.memory_space<vmem>>) offsets(%dma_start3A_154 : memref<128xi32, #tpu.memory_space<vmem>>) semaphore(%arg12 : memref<!tpu.dma_semaphore, #tpu.memory_space<semaphore_mem>>)
    %dma_wait3A_158 = arith.constant 2 : i32
    %dma_wait3A_159 = arith.constant 0 : i32
    %dma_wait3A_160 = arith.constant 0 : i32
    %dma_wait3A_161 = arith.constant 0 : i32
    %dma_wait3A_162 = tpu.memref_slice %arg10[%dma_wait3A_159, %dma_wait3A_160, %dma_wait3A_161] : memref<2x128x128xf32, #tpu.memory_space<vmem>> -> memref<1x128x128xf32, #tpu.memory_space<vmem>>
    %dma_wait3A_163 = tpu.memref_squeeze %dma_wait3A_162 : memref<1x128x128xf32, #tpu.memory_space<vmem>> -> memref<128x128xf32, #tpu.memory_space<vmem>>
    %dma_wait3A_164 = arith.constant 0 : i32
    %dma_wait3A_165 = tpu.memref_slice %arg8[%dma_wait3A_158, %dma_wait3A_164] : memref<4x128xi32, #tpu.memory_space<vmem>> -> memref<1x128xi32, #tpu.memory_space<vmem>>
    %dma_wait3A_166 = tpu.memref_squeeze %dma_wait3A_165 : memref<1x128xi32, #tpu.memory_space<vmem>> -> memref<128xi32, #tpu.memory_space<vmem>>
    %dma_wait3A_167 = arith.constant 0 : i32
    %dma_wait3A_168 = arith.constant 0 : i32
    %dma_wait3A_169 = tpu.memref_slice %arg4[%dma_wait3A_167, %dma_wait3A_168] : memref<500000x128xf32, #tpu.memory_space<hbm>> -> memref<500000x128xf32, #tpu.memory_space<hbm>>
    tpu.wait_indirect_dma semaphore(%arg12 : memref<!tpu.dma_semaphore, #tpu.memory_space<semaphore_mem>>) src(%dma_wait3A_169 : memref<500000x128xf32, #tpu.memory_space<hbm>>) dst(%dma_wait3A_163 : memref<128x128xf32, #tpu.memory_space<vmem>>)
    %dma_wait3A_170 = arith.constant 2 : i32
    %dma_wait3A_171 = arith.constant 0 : i32
    %dma_wait3A_172 = arith.constant 0 : i32
    %dma_wait3A_173 = arith.constant 0 : i32
    %dma_wait3A_174 = tpu.memref_slice %arg11[%dma_wait3A_171, %dma_wait3A_172, %dma_wait3A_173] : memref<2x128x128xf32, #tpu.memory_space<vmem>> -> memref<1x128x128xf32, #tpu.memory_space<vmem>>
    %dma_wait3A_175 = tpu.memref_squeeze %dma_wait3A_174 : memref<1x128x128xf32, #tpu.memory_space<vmem>> -> memref<128x128xf32, #tpu.memory_space<vmem>>
    %dma_wait3A_176 = arith.constant 0 : i32
    %dma_wait3A_177 = tpu.memref_slice %arg9[%dma_wait3A_170, %dma_wait3A_176] : memref<4x128xi32, #tpu.memory_space<vmem>> -> memref<1x128xi32, #tpu.memory_space<vmem>>
    %dma_wait3A_178 = tpu.memref_squeeze %dma_wait3A_177 : memref<1x128xi32, #tpu.memory_space<vmem>> -> memref<128xi32, #tpu.memory_space<vmem>>
    %dma_wait3A_179 = arith.constant 0 : i32
    %dma_wait3A_180 = arith.constant 0 : i32
    %dma_wait3A_181 = tpu.memref_slice %arg5[%dma_wait3A_179, %dma_wait3A_180] : memref<50000x128xf32, #tpu.memory_space<hbm>> -> memref<50000x128xf32, #tpu.memory_space<hbm>>
    tpu.wait_indirect_dma semaphore(%arg12 : memref<!tpu.dma_semaphore, #tpu.memory_space<semaphore_mem>>) src(%dma_wait3A_181 : memref<50000x128xf32, #tpu.memory_space<hbm>>) dst(%dma_wait3A_175 : memref<128x128xf32, #tpu.memory_space<vmem>>)
    %mul3A_182 = arith.constant 4 : i32
    %mul3A_183 = arith.muli %add3A, %mul3A_182 : i32
    %add3A_184 = arith.constant 2 : i32
    %add3A_185 = arith.addi %mul3A_183, %add3A_184 : i32
    %mul3A_186 = arith.constant 128 : i32
    %mul3A_187 = arith.muli %add3A_185, %mul3A_186 : i32
    %run_scoped3A_188 = arith.constant 0 : i32
    "tpu.region"() ({
      %run_scoped3A_222 = tpu.sem_alloc : memref<!tpu.dma_semaphore, #tpu.memory_space<semaphore_mem>>
      %dma_start3A_223 = arith.constant 0 : i32
      %dma_start3A_224 = arith.constant 0 : i32
      %dma_start3A_225 = tpu.memref_slice %arg10[%run_scoped3A_188, %dma_start3A_223, %dma_start3A_224] : memref<2x128x128xf32, #tpu.memory_space<vmem>> -> memref<1x128x128xf32, #tpu.memory_space<vmem>>
      %dma_start3A_226 = tpu.memref_squeeze %dma_start3A_225 : memref<1x128x128xf32, #tpu.memory_space<vmem>> -> memref<128x128xf32, #tpu.memory_space<vmem>>
      %dma_start3A_227 = arith.constant 0 : i32
      %dma_start3A_228 = tpu.memref_slice %arg6[%mul3A_187, %dma_start3A_227] : memref<16384x128xf32, #tpu.memory_space<hbm>> -> memref<128x128xf32, #tpu.memory_space<hbm>>
      %dma_start3A_229 = arith.constant 0 : i32
      %dma_start3A_230 = tpu.memref_slice %arg6[%mul3A_187, %dma_start3A_229] : memref<16384x128xf32, #tpu.memory_space<hbm>> -> memref<128x128xf32, #tpu.memory_space<hbm>>
      %dma_start3A_231 = arith.constant 0 : i32
      %dma_start3A_232 = arith.constant 0 : i32
      %dma_start3A_233 = tpu.memref_slice %arg10[%run_scoped3A_188, %dma_start3A_231, %dma_start3A_232] : memref<2x128x128xf32, #tpu.memory_space<vmem>> -> memref<1x128x128xf32, #tpu.memory_space<vmem>>
      %dma_start3A_234 = tpu.memref_squeeze %dma_start3A_233 : memref<1x128x128xf32, #tpu.memory_space<vmem>> -> memref<128x128xf32, #tpu.memory_space<vmem>>
      tpu.enqueue_dma source(%dma_start3A_234 : memref<128x128xf32, #tpu.memory_space<vmem>>) target(%dma_start3A_230 : memref<128x128xf32, #tpu.memory_space<hbm>>) target_semaphore(%run_scoped3A_222 : memref<!tpu.dma_semaphore, #tpu.memory_space<semaphore_mem>>)
      %dma_wait3A_235 = arith.constant 0 : i32
      %dma_wait3A_236 = arith.constant 0 : i32
      %dma_wait3A_237 = tpu.memref_slice %arg10[%run_scoped3A_188, %dma_wait3A_235, %dma_wait3A_236] : memref<2x128x128xf32, #tpu.memory_space<vmem>> -> memref<1x128x128xf32, #tpu.memory_space<vmem>>
      %dma_wait3A_238 = tpu.memref_squeeze %dma_wait3A_237 : memref<1x128x128xf32, #tpu.memory_space<vmem>> -> memref<128x128xf32, #tpu.memory_space<vmem>>
      %dma_wait3A_239 = arith.constant 0 : i32
      %dma_wait3A_240 = tpu.memref_slice %arg6[%mul3A_187, %dma_wait3A_239] : memref<16384x128xf32, #tpu.memory_space<hbm>> -> memref<128x128xf32, #tpu.memory_space<hbm>>
      %dma_wait3A_241 = arith.constant 0 : i32
      %dma_wait3A_242 = tpu.memref_slice %arg6[%mul3A_187, %dma_wait3A_241] : memref<16384x128xf32, #tpu.memory_space<hbm>> -> memref<128x128xf32, #tpu.memory_space<hbm>>
      %dma_wait3A_243 = arith.constant 0 : i32
      %dma_wait3A_244 = arith.constant 0 : i32
      %dma_wait3A_245 = tpu.memref_slice %arg10[%run_scoped3A_188, %dma_wait3A_243, %dma_wait3A_244] : memref<2x128x128xf32, #tpu.memory_space<vmem>> -> memref<1x128x128xf32, #tpu.memory_space<vmem>>
      %dma_wait3A_246 = tpu.memref_squeeze %dma_wait3A_245 : memref<1x128x128xf32, #tpu.memory_space<vmem>> -> memref<128x128xf32, #tpu.memory_space<vmem>>
      tpu.wait_dma2 semaphore(%run_scoped3A_222 : memref<!tpu.dma_semaphore, #tpu.memory_space<semaphore_mem>>) src(%dma_wait3A_246 : memref<128x128xf32, #tpu.memory_space<vmem>>) dst(%dma_wait3A_242 : memref<128x128xf32, #tpu.memory_space<hbm>>)
      tpu.yield
    }) : () -> ()
    %run_scoped3A_189 = arith.constant 0 : i32
    "tpu.region"() ({
      %run_scoped3A_222 = tpu.sem_alloc : memref<!tpu.dma_semaphore, #tpu.memory_space<semaphore_mem>>
      %dma_start3A_223 = arith.constant 0 : i32
      %dma_start3A_224 = arith.constant 0 : i32
      %dma_start3A_225 = tpu.memref_slice %arg11[%run_scoped3A_189, %dma_start3A_223, %dma_start3A_224] : memref<2x128x128xf32, #tpu.memory_space<vmem>> -> memref<1x128x128xf32, #tpu.memory_space<vmem>>
      %dma_start3A_226 = tpu.memref_squeeze %dma_start3A_225 : memref<1x128x128xf32, #tpu.memory_space<vmem>> -> memref<128x128xf32, #tpu.memory_space<vmem>>
      %dma_start3A_227 = arith.constant 0 : i32
      %dma_start3A_228 = tpu.memref_slice %arg7[%mul3A_187, %dma_start3A_227] : memref<16384x128xf32, #tpu.memory_space<hbm>> -> memref<128x128xf32, #tpu.memory_space<hbm>>
      %dma_start3A_229 = arith.constant 0 : i32
      %dma_start3A_230 = tpu.memref_slice %arg7[%mul3A_187, %dma_start3A_229] : memref<16384x128xf32, #tpu.memory_space<hbm>> -> memref<128x128xf32, #tpu.memory_space<hbm>>
      %dma_start3A_231 = arith.constant 0 : i32
      %dma_start3A_232 = arith.constant 0 : i32
      %dma_start3A_233 = tpu.memref_slice %arg11[%run_scoped3A_189, %dma_start3A_231, %dma_start3A_232] : memref<2x128x128xf32, #tpu.memory_space<vmem>> -> memref<1x128x128xf32, #tpu.memory_space<vmem>>
      %dma_start3A_234 = tpu.memref_squeeze %dma_start3A_233 : memref<1x128x128xf32, #tpu.memory_space<vmem>> -> memref<128x128xf32, #tpu.memory_space<vmem>>
      tpu.enqueue_dma source(%dma_start3A_234 : memref<128x128xf32, #tpu.memory_space<vmem>>) target(%dma_start3A_230 : memref<128x128xf32, #tpu.memory_space<hbm>>) target_semaphore(%run_scoped3A_222 : memref<!tpu.dma_semaphore, #tpu.memory_space<semaphore_mem>>)
      %dma_wait3A_235 = arith.constant 0 : i32
      %dma_wait3A_236 = arith.constant 0 : i32
      %dma_wait3A_237 = tpu.memref_slice %arg11[%run_scoped3A_189, %dma_wait3A_235, %dma_wait3A_236] : memref<2x128x128xf32, #tpu.memory_space<vmem>> -> memref<1x128x128xf32, #tpu.memory_space<vmem>>
      %dma_wait3A_238 = tpu.memref_squeeze %dma_wait3A_237 : memref<1x128x128xf32, #tpu.memory_space<vmem>> -> memref<128x128xf32, #tpu.memory_space<vmem>>
      %dma_wait3A_239 = arith.constant 0 : i32
      %dma_wait3A_240 = tpu.memref_slice %arg7[%mul3A_187, %dma_wait3A_239] : memref<16384x128xf32, #tpu.memory_space<hbm>> -> memref<128x128xf32, #tpu.memory_space<hbm>>
      %dma_wait3A_241 = arith.constant 0 : i32
      %dma_wait3A_242 = tpu.memref_slice %arg7[%mul3A_187, %dma_wait3A_241] : memref<16384x128xf32, #tpu.memory_space<hbm>> -> memref<128x128xf32, #tpu.memory_space<hbm>>
      %dma_wait3A_243 = arith.constant 0 : i32
      %dma_wait3A_244 = arith.constant 0 : i32
      %dma_wait3A_245 = tpu.memref_slice %arg11[%run_scoped3A_189, %dma_wait3A_243, %dma_wait3A_244] : memref<2x128x128xf32, #tpu.memory_space<vmem>> -> memref<1x128x128xf32, #tpu.memory_space<vmem>>
      %dma_wait3A_246 = tpu.memref_squeeze %dma_wait3A_245 : memref<1x128x128xf32, #tpu.memory_space<vmem>> -> memref<128x128xf32, #tpu.memory_space<vmem>>
      tpu.wait_dma2 semaphore(%run_scoped3A_222 : memref<!tpu.dma_semaphore, #tpu.memory_space<semaphore_mem>>) src(%dma_wait3A_246 : memref<128x128xf32, #tpu.memory_space<vmem>>) dst(%dma_wait3A_242 : memref<128x128xf32, #tpu.memory_space<hbm>>)
      tpu.yield
    }) : () -> ()
    %dma_wait3A_190 = arith.constant 3 : i32
    %dma_wait3A_191 = arith.constant 1 : i32
    %dma_wait3A_192 = arith.constant 0 : i32
    %dma_wait3A_193 = arith.constant 0 : i32
    %dma_wait3A_194 = tpu.memref_slice %arg10[%dma_wait3A_191, %dma_wait3A_192, %dma_wait3A_193] : memref<2x128x128xf32, #tpu.memory_space<vmem>> -> memref<1x128x128xf32, #tpu.memory_space<vmem>>
    %dma_wait3A_195 = tpu.memref_squeeze %dma_wait3A_194 : memref<1x128x128xf32, #tpu.memory_space<vmem>> -> memref<128x128xf32, #tpu.memory_space<vmem>>
    %dma_wait3A_196 = arith.constant 0 : i32
    %dma_wait3A_197 = tpu.memref_slice %arg8[%dma_wait3A_190, %dma_wait3A_196] : memref<4x128xi32, #tpu.memory_space<vmem>> -> memref<1x128xi32, #tpu.memory_space<vmem>>
    %dma_wait3A_198 = tpu.memref_squeeze %dma_wait3A_197 : memref<1x128xi32, #tpu.memory_space<vmem>> -> memref<128xi32, #tpu.memory_space<vmem>>
    %dma_wait3A_199 = arith.constant 0 : i32
    %dma_wait3A_200 = arith.constant 0 : i32
    %dma_wait3A_201 = tpu.memref_slice %arg4[%dma_wait3A_199, %dma_wait3A_200] : memref<500000x128xf32, #tpu.memory_space<hbm>> -> memref<500000x128xf32, #tpu.memory_space<hbm>>
    tpu.wait_indirect_dma semaphore(%arg12 : memref<!tpu.dma_semaphore, #tpu.memory_space<semaphore_mem>>) src(%dma_wait3A_201 : memref<500000x128xf32, #tpu.memory_space<hbm>>) dst(%dma_wait3A_195 : memref<128x128xf32, #tpu.memory_space<vmem>>)
    %dma_wait3A_202 = arith.constant 3 : i32
    %dma_wait3A_203 = arith.constant 1 : i32
    %dma_wait3A_204 = arith.constant 0 : i32
    %dma_wait3A_205 = arith.constant 0 : i32
    %dma_wait3A_206 = tpu.memref_slice %arg11[%dma_wait3A_203, %dma_wait3A_204, %dma_wait3A_205] : memref<2x128x128xf32, #tpu.memory_space<vmem>> -> memref<1x128x128xf32, #tpu.memory_space<vmem>>
    %dma_wait3A_207 = tpu.memref_squeeze %dma_wait3A_206 : memref<1x128x128xf32, #tpu.memory_space<vmem>> -> memref<128x128xf32, #tpu.memory_space<vmem>>
    %dma_wait3A_208 = arith.constant 0 : i32
    %dma_wait3A_209 = tpu.memref_slice %arg9[%dma_wait3A_202, %dma_wait3A_208] : memref<4x128xi32, #tpu.memory_space<vmem>> -> memref<1x128xi32, #tpu.memory_space<vmem>>
    %dma_wait3A_210 = tpu.memref_squeeze %dma_wait3A_209 : memref<1x128xi32, #tpu.memory_space<vmem>> -> memref<128xi32, #tpu.memory_space<vmem>>
    %dma_wait3A_211 = arith.constant 0 : i32
    %dma_wait3A_212 = arith.constant 0 : i32
    %dma_wait3A_213 = tpu.memref_slice %arg5[%dma_wait3A_211, %dma_wait3A_212] : memref<50000x128xf32, #tpu.memory_space<hbm>> -> memref<50000x128xf32, #tpu.memory_space<hbm>>
    tpu.wait_indirect_dma semaphore(%arg12 : memref<!tpu.dma_semaphore, #tpu.memory_space<semaphore_mem>>) src(%dma_wait3A_213 : memref<50000x128xf32, #tpu.memory_space<hbm>>) dst(%dma_wait3A_207 : memref<128x128xf32, #tpu.memory_space<vmem>>)
    %mul3A_214 = arith.constant 4 : i32
    %mul3A_215 = arith.muli %add3A, %mul3A_214 : i32
    %add3A_216 = arith.constant 3 : i32
    %add3A_217 = arith.addi %mul3A_215, %add3A_216 : i32
    %mul3A_218 = arith.constant 128 : i32
    %mul3A_219 = arith.muli %add3A_217, %mul3A_218 : i32
    %run_scoped3A_220 = arith.constant 1 : i32
    "tpu.region"() ({
      %run_scoped3A_222 = tpu.sem_alloc : memref<!tpu.dma_semaphore, #tpu.memory_space<semaphore_mem>>
      %dma_start3A_223 = arith.constant 0 : i32
      %dma_start3A_224 = arith.constant 0 : i32
      %dma_start3A_225 = tpu.memref_slice %arg10[%run_scoped3A_220, %dma_start3A_223, %dma_start3A_224] : memref<2x128x128xf32, #tpu.memory_space<vmem>> -> memref<1x128x128xf32, #tpu.memory_space<vmem>>
      %dma_start3A_226 = tpu.memref_squeeze %dma_start3A_225 : memref<1x128x128xf32, #tpu.memory_space<vmem>> -> memref<128x128xf32, #tpu.memory_space<vmem>>
      %dma_start3A_227 = arith.constant 0 : i32
      %dma_start3A_228 = tpu.memref_slice %arg6[%mul3A_219, %dma_start3A_227] : memref<16384x128xf32, #tpu.memory_space<hbm>> -> memref<128x128xf32, #tpu.memory_space<hbm>>
      %dma_start3A_229 = arith.constant 0 : i32
      %dma_start3A_230 = tpu.memref_slice %arg6[%mul3A_219, %dma_start3A_229] : memref<16384x128xf32, #tpu.memory_space<hbm>> -> memref<128x128xf32, #tpu.memory_space<hbm>>
      %dma_start3A_231 = arith.constant 0 : i32
      %dma_start3A_232 = arith.constant 0 : i32
      %dma_start3A_233 = tpu.memref_slice %arg10[%run_scoped3A_220, %dma_start3A_231, %dma_start3A_232] : memref<2x128x128xf32, #tpu.memory_space<vmem>> -> memref<1x128x128xf32, #tpu.memory_space<vmem>>
      %dma_start3A_234 = tpu.memref_squeeze %dma_start3A_233 : memref<1x128x128xf32, #tpu.memory_space<vmem>> -> memref<128x128xf32, #tpu.memory_space<vmem>>
      tpu.enqueue_dma source(%dma_start3A_234 : memref<128x128xf32, #tpu.memory_space<vmem>>) target(%dma_start3A_230 : memref<128x128xf32, #tpu.memory_space<hbm>>) target_semaphore(%run_scoped3A_222 : memref<!tpu.dma_semaphore, #tpu.memory_space<semaphore_mem>>)
      %dma_wait3A_235 = arith.constant 0 : i32
      %dma_wait3A_236 = arith.constant 0 : i32
      %dma_wait3A_237 = tpu.memref_slice %arg10[%run_scoped3A_220, %dma_wait3A_235, %dma_wait3A_236] : memref<2x128x128xf32, #tpu.memory_space<vmem>> -> memref<1x128x128xf32, #tpu.memory_space<vmem>>
      %dma_wait3A_238 = tpu.memref_squeeze %dma_wait3A_237 : memref<1x128x128xf32, #tpu.memory_space<vmem>> -> memref<128x128xf32, #tpu.memory_space<vmem>>
      %dma_wait3A_239 = arith.constant 0 : i32
      %dma_wait3A_240 = tpu.memref_slice %arg6[%mul3A_219, %dma_wait3A_239] : memref<16384x128xf32, #tpu.memory_space<hbm>> -> memref<128x128xf32, #tpu.memory_space<hbm>>
      %dma_wait3A_241 = arith.constant 0 : i32
      %dma_wait3A_242 = tpu.memref_slice %arg6[%mul3A_219, %dma_wait3A_241] : memref<16384x128xf32, #tpu.memory_space<hbm>> -> memref<128x128xf32, #tpu.memory_space<hbm>>
      %dma_wait3A_243 = arith.constant 0 : i32
      %dma_wait3A_244 = arith.constant 0 : i32
      %dma_wait3A_245 = tpu.memref_slice %arg10[%run_scoped3A_220, %dma_wait3A_243, %dma_wait3A_244] : memref<2x128x128xf32, #tpu.memory_space<vmem>> -> memref<1x128x128xf32, #tpu.memory_space<vmem>>
      %dma_wait3A_246 = tpu.memref_squeeze %dma_wait3A_245 : memref<1x128x128xf32, #tpu.memory_space<vmem>> -> memref<128x128xf32, #tpu.memory_space<vmem>>
      tpu.wait_dma2 semaphore(%run_scoped3A_222 : memref<!tpu.dma_semaphore, #tpu.memory_space<semaphore_mem>>) src(%dma_wait3A_246 : memref<128x128xf32, #tpu.memory_space<vmem>>) dst(%dma_wait3A_242 : memref<128x128xf32, #tpu.memory_space<hbm>>)
      tpu.yield
    }) : () -> ()
    %run_scoped3A_221 = arith.constant 1 : i32
    "tpu.region"() ({
      %run_scoped3A_222 = tpu.sem_alloc : memref<!tpu.dma_semaphore, #tpu.memory_space<semaphore_mem>>
      %dma_start3A_223 = arith.constant 0 : i32
      %dma_start3A_224 = arith.constant 0 : i32
      %dma_start3A_225 = tpu.memref_slice %arg11[%run_scoped3A_221, %dma_start3A_223, %dma_start3A_224] : memref<2x128x128xf32, #tpu.memory_space<vmem>> -> memref<1x128x128xf32, #tpu.memory_space<vmem>>
      %dma_start3A_226 = tpu.memref_squeeze %dma_start3A_225 : memref<1x128x128xf32, #tpu.memory_space<vmem>> -> memref<128x128xf32, #tpu.memory_space<vmem>>
      %dma_start3A_227 = arith.constant 0 : i32
      %dma_start3A_228 = tpu.memref_slice %arg7[%mul3A_219, %dma_start3A_227] : memref<16384x128xf32, #tpu.memory_space<hbm>> -> memref<128x128xf32, #tpu.memory_space<hbm>>
      %dma_start3A_229 = arith.constant 0 : i32
      %dma_start3A_230 = tpu.memref_slice %arg7[%mul3A_219, %dma_start3A_229] : memref<16384x128xf32, #tpu.memory_space<hbm>> -> memref<128x128xf32, #tpu.memory_space<hbm>>
      %dma_start3A_231 = arith.constant 0 : i32
      %dma_start3A_232 = arith.constant 0 : i32
      %dma_start3A_233 = tpu.memref_slice %arg11[%run_scoped3A_221, %dma_start3A_231, %dma_start3A_232] : memref<2x128x128xf32, #tpu.memory_space<vmem>> -> memref<1x128x128xf32, #tpu.memory_space<vmem>>
      %dma_start3A_234 = tpu.memref_squeeze %dma_start3A_233 : memref<1x128x128xf32, #tpu.memory_space<vmem>> -> memref<128x128xf32, #tpu.memory_space<vmem>>
      tpu.enqueue_dma source(%dma_start3A_234 : memref<128x128xf32, #tpu.memory_space<vmem>>) target(%dma_start3A_230 : memref<128x128xf32, #tpu.memory_space<hbm>>) target_semaphore(%run_scoped3A_222 : memref<!tpu.dma_semaphore, #tpu.memory_space<semaphore_mem>>)
      %dma_wait3A_235 = arith.constant 0 : i32
      %dma_wait3A_236 = arith.constant 0 : i32
      %dma_wait3A_237 = tpu.memref_slice %arg11[%run_scoped3A_221, %dma_wait3A_235, %dma_wait3A_236] : memref<2x128x128xf32, #tpu.memory_space<vmem>> -> memref<1x128x128xf32, #tpu.memory_space<vmem>>
      %dma_wait3A_238 = tpu.memref_squeeze %dma_wait3A_237 : memref<1x128x128xf32, #tpu.memory_space<vmem>> -> memref<128x128xf32, #tpu.memory_space<vmem>>
      %dma_wait3A_239 = arith.constant 0 : i32
      %dma_wait3A_240 = tpu.memref_slice %arg7[%mul3A_219, %dma_wait3A_239] : memref<16384x128xf32, #tpu.memory_space<hbm>> -> memref<128x128xf32, #tpu.memory_space<hbm>>
      %dma_wait3A_241 = arith.constant 0 : i32
      %dma_wait3A_242 = tpu.memref_slice %arg7[%mul3A_219, %dma_wait3A_241] : memref<16384x128xf32, #tpu.memory_space<hbm>> -> memref<128x128xf32, #tpu.memory_space<hbm>>
      %dma_wait3A_243 = arith.constant 0 : i32
      %dma_wait3A_244 = arith.constant 0 : i32
      %dma_wait3A_245 = tpu.memref_slice %arg11[%run_scoped3A_221, %dma_wait3A_243, %dma_wait3A_244] : memref<2x128x128xf32, #tpu.memory_space<vmem>> -> memref<1x128x128xf32, #tpu.memory_space<vmem>>
      %dma_wait3A_246 = tpu.memref_squeeze %dma_wait3A_245 : memref<1x128x128xf32, #tpu.memory_space<vmem>> -> memref<128x128xf32, #tpu.memory_space<vmem>>
      tpu.wait_dma2 semaphore(%run_scoped3A_222 : memref<!tpu.dma_semaphore, #tpu.memory_space<semaphore_mem>>) src(%dma_wait3A_246 : memref<128x128xf32, #tpu.memory_space<vmem>>) dst(%dma_wait3A_242 : memref<128x128xf32, #tpu.memory_space<hbm>>)
      tpu.yield
    }) : () -> ()
    return
  }
}

module attributes {stable_mosaic.version = 14 : i64} {
  func.func @_mlp_body(%arg0: i32, %arg1: memref<2048x128xf32, #tpu.memory_space<vmem>>, %arg2: memref<2048x128xf32, #tpu.memory_space<vmem>>, %arg3: memref<2048x1xf32, #tpu.memory_space<vmem>>, %arg4: memref<2048x1xf32, #tpu.memory_space<vmem>>, %arg5: memref<128x256xf32, #tpu.memory_space<vmem>>, %arg6: memref<128x256xf32, #tpu.memory_space<vmem>>, %arg7: memref<1x256xf32, #tpu.memory_space<vmem>>, %arg8: memref<256x64xf32, #tpu.memory_space<vmem>>, %arg9: memref<1x64xf32, #tpu.memory_space<vmem>>, %arg10: memref<1x64xf32, #tpu.memory_space<vmem>>, %arg11: memref<1x1xf32, #tpu.memory_space<vmem>>, %arg12: memref<2048x1xf32, #tpu.memory_space<vmem>>) attributes {dimension_semantics = [#tpu.dimension_semantics<arbitrary>], iteration_bounds = array<i64: 8>, scalar_prefetch = 0 : i64, scratch_operands = 0 : i64, tpu.core_type = #tpu.core_type<tc>, window_params = [{transform_indices = @transform_0, window_bounds = array<i64: 2048, 128>}, {transform_indices = @transform_1, window_bounds = array<i64: 2048, 128>}, {transform_indices = @transform_2, window_bounds = array<i64: 2048, 1>}, {transform_indices = @transform_3, window_bounds = array<i64: 2048, 1>}, {pipeline_mode = #tpu.pipeline_mode<synchronous>, transform_indices = @transform_4, window_bounds = array<i64: 128, 256>}, {pipeline_mode = #tpu.pipeline_mode<synchronous>, transform_indices = @transform_5, window_bounds = array<i64: 128, 256>}, {pipeline_mode = #tpu.pipeline_mode<synchronous>, transform_indices = @transform_6, window_bounds = array<i64: 1, 256>}, {pipeline_mode = #tpu.pipeline_mode<synchronous>, transform_indices = @transform_7, window_bounds = array<i64: 256, 64>}, {pipeline_mode = #tpu.pipeline_mode<synchronous>, transform_indices = @transform_8, window_bounds = array<i64: 1, 64>}, {pipeline_mode = #tpu.pipeline_mode<synchronous>, transform_indices = @transform_9, window_bounds = array<i64: 1, 64>}, {pipeline_mode = #tpu.pipeline_mode<synchronous>, transform_indices = @transform_10, window_bounds = array<i64: 1, 1>}, {transform_indices = @transform_11, window_bounds = array<i64: 2048, 1>}]} {
    %iota3A = tpu.iota {dimensions = array<i32: 1>} : vector<2048x128xi32>
    %lt3A = arith.constant 64 : i32
    %lt3A_0 = vector.broadcast %lt3A : i32 to vector<2048x128xi32>
    %lt3A_1 = arith.cmpi slt, %iota3A, %lt3A_0 : vector<2048x128xi32>
    %convert_element_type3A = arith.extui %lt3A_1 : vector<2048x128xi1> to vector<2048x128xi32>
    %convert_element_type3A_2 = arith.sitofp %convert_element_type3A : vector<2048x128xi32> to vector<2048x128xf32>
    %get3A = arith.constant 0 : index
    %get3A_3 = arith.constant 0 : index
    %get3A_4 = vector.load %arg3[%get3A, %get3A_3] : memref<2048x1xf32, #tpu.memory_space<vmem>>, vector<2048x1xf32>
    %mul3A = arith.constant 2.000000e+00 : f32
    %mul3A_5 = vector.broadcast %mul3A : f32 to vector<2048x128xf32>
    %mul3A_6 = arith.mulf %mul3A_5, %convert_element_type3A_2 : vector<2048x128xf32>
    %sub3A = arith.constant 1.000000e+00 : f32
    %sub3A_7 = vector.broadcast %sub3A : f32 to vector<2048x128xf32>
    %sub3A_8 = arith.subf %sub3A_7, %mul3A_6 : vector<2048x128xf32>
    %mul3A_9 = vector.broadcast %get3A_4 : vector<2048x1xf32> to vector<2048x128xf32>
    %mul3A_10 = arith.mulf %mul3A_9, %sub3A_8 : vector<2048x128xf32>
    %add3A = arith.addf %convert_element_type3A_2, %mul3A_10 : vector<2048x128xf32>
    %get3A_11 = arith.constant 0 : index
    %get3A_12 = arith.constant 0 : index
    %get3A_13 = vector.load %arg4[%get3A_11, %get3A_12] : memref<2048x1xf32, #tpu.memory_space<vmem>>, vector<2048x1xf32>
    %mul3A_14 = arith.constant 2.000000e+00 : f32
    %mul3A_15 = vector.broadcast %mul3A_14 : f32 to vector<2048x128xf32>
    %mul3A_16 = arith.mulf %mul3A_15, %convert_element_type3A_2 : vector<2048x128xf32>
    %sub3A_17 = arith.constant 1.000000e+00 : f32
    %sub3A_18 = vector.broadcast %sub3A_17 : f32 to vector<2048x128xf32>
    %sub3A_19 = arith.subf %sub3A_18, %mul3A_16 : vector<2048x128xf32>
    %mul3A_20 = vector.broadcast %get3A_13 : vector<2048x1xf32> to vector<2048x128xf32>
    %mul3A_21 = arith.mulf %mul3A_20, %sub3A_19 : vector<2048x128xf32>
    %add3A_22 = arith.addf %convert_element_type3A_2, %mul3A_21 : vector<2048x128xf32>
    %get3A_23 = arith.constant 0 : index
    %get3A_24 = arith.constant 0 : index
    %get3A_25 = vector.load %arg1[%get3A_23, %get3A_24] : memref<2048x128xf32, #tpu.memory_space<vmem>>, vector<2048x128xf32>
    %mul3A_26 = arith.mulf %get3A_25, %add3A : vector<2048x128xf32>
    %get3A_27 = arith.constant 0 : index
    %get3A_28 = arith.constant 0 : index
    %get3A_29 = vector.load %arg5[%get3A_27, %get3A_28] : memref<128x256xf32, #tpu.memory_space<vmem>>, vector<128x256xf32>
    %dot_general3A = arith.constant dense<0.000000e+00> : vector<2048x256xf32>
    %dot_general3A_30 = tpu.matmul %mul3A_26, %get3A_29, %dot_general3A {dimension_numbers = #tpu.dot_dimension_numbers<[1], [0], [0], [1], [0, 0, 1, 1], [], []>, transpose_lhs_hint = false} : vector<2048x128xf32>, vector<128x256xf32>, vector<2048x256xf32> -> vector<2048x256xf32>
    %get3A_31 = arith.constant 0 : index
    %get3A_32 = arith.constant 0 : index
    %get3A_33 = vector.load %arg2[%get3A_31, %get3A_32] : memref<2048x128xf32, #tpu.memory_space<vmem>>, vector<2048x128xf32>
    %mul3A_34 = arith.mulf %get3A_33, %add3A_22 : vector<2048x128xf32>
    %get3A_35 = arith.constant 0 : index
    %get3A_36 = arith.constant 0 : index
    %get3A_37 = vector.load %arg6[%get3A_35, %get3A_36] : memref<128x256xf32, #tpu.memory_space<vmem>>, vector<128x256xf32>
    %dot_general3A_38 = arith.constant dense<0.000000e+00> : vector<2048x256xf32>
    %dot_general3A_39 = tpu.matmul %mul3A_34, %get3A_37, %dot_general3A_38 {dimension_numbers = #tpu.dot_dimension_numbers<[1], [0], [0], [1], [0, 0, 1, 1], [], []>, transpose_lhs_hint = false} : vector<2048x128xf32>, vector<128x256xf32>, vector<2048x256xf32> -> vector<2048x256xf32>
    %add3A_40 = arith.addf %dot_general3A_30, %dot_general3A_39 : vector<2048x256xf32>
    %get3A_41 = arith.constant 0 : index
    %get3A_42 = arith.constant 0 : index
    %get3A_43 = vector.load %arg7[%get3A_41, %get3A_42] : memref<1x256xf32, #tpu.memory_space<vmem>>, vector<1x256xf32>
    %add3A_44 = vector.broadcast %get3A_43 : vector<1x256xf32> to vector<2048x256xf32>
    %add3A_45 = arith.addf %add3A_40, %add3A_44 : vector<2048x256xf32>
    %max3A = arith.constant 0.000000e+00 : f32
    %max3A_46 = vector.broadcast %max3A : f32 to vector<2048x256xf32>
    %max3A_47 = arith.maximumf %add3A_45, %max3A_46 : vector<2048x256xf32>
    %get3A_48 = arith.constant 0 : index
    %get3A_49 = arith.constant 0 : index
    %get3A_50 = vector.load %arg8[%get3A_48, %get3A_49] : memref<256x64xf32, #tpu.memory_space<vmem>>, vector<256x64xf32>
    %dot_general3A_51 = arith.constant dense<0.000000e+00> : vector<2048x64xf32>
    %dot_general3A_52 = tpu.matmul %max3A_47, %get3A_50, %dot_general3A_51 {dimension_numbers = #tpu.dot_dimension_numbers<[1], [0], [0], [1], [0, 0, 1, 1], [], []>, transpose_lhs_hint = false} : vector<2048x256xf32>, vector<256x64xf32>, vector<2048x64xf32> -> vector<2048x64xf32>
    %get3A_53 = arith.constant 0 : index
    %get3A_54 = arith.constant 0 : index
    %get3A_55 = vector.load %arg9[%get3A_53, %get3A_54] : memref<1x64xf32, #tpu.memory_space<vmem>>, vector<1x64xf32>
    %add3A_56 = vector.broadcast %get3A_55 : vector<1x64xf32> to vector<2048x64xf32>
    %add3A_57 = arith.addf %dot_general3A_52, %add3A_56 : vector<2048x64xf32>
    %max3A_58 = arith.constant 0.000000e+00 : f32
    %max3A_59 = vector.broadcast %max3A_58 : f32 to vector<2048x64xf32>
    %max3A_60 = arith.maximumf %add3A_57, %max3A_59 : vector<2048x64xf32>
    %get3A_61 = arith.constant 0 : index
    %get3A_62 = arith.constant 0 : index
    %get3A_63 = vector.load %arg10[%get3A_61, %get3A_62] : memref<1x64xf32, #tpu.memory_space<vmem>>, vector<1x64xf32>
    %mul3A_64 = vector.broadcast %get3A_63 : vector<1x64xf32> to vector<2048x64xf32>
    %mul3A_65 = arith.mulf %max3A_60, %mul3A_64 : vector<2048x64xf32>
    %reduce_sum3A = arith.constant dense<0.000000e+00> : vector<2048xf32>
    %reduce_sum3A_66 = vector.multi_reduction <add>, %mul3A_65, %reduce_sum3A [1] : vector<2048x64xf32> to vector<2048xf32>
    %broadcast_in_dim3A = vector.shape_cast %reduce_sum3A_66 : vector<2048xf32> to vector<2048x1xf32>
    %get3A_67 = arith.constant 0 : index
    %get3A_68 = arith.constant 0 : index
    %get3A_69 = vector.load %arg11[%get3A_67, %get3A_68] : memref<1x1xf32, #tpu.memory_space<vmem>>, vector<1x1xf32>
    %get3A_70 = vector.extract %get3A_69[0, 0] : f32 from vector<1x1xf32>
    %add3A_71 = vector.broadcast %get3A_70 : f32 to vector<2048x1xf32>
    %add3A_72 = arith.addf %broadcast_in_dim3A, %add3A_71 : vector<2048x1xf32>
    %swap3A = arith.constant 0 : index
    %swap3A_73 = arith.constant 0 : index
    %swap3A_74 = vector.load %arg12[%swap3A, %swap3A_73] : memref<2048x1xf32, #tpu.memory_space<vmem>>, vector<2048x1xf32>
    tpu.vector_store %arg12[%swap3A, %swap3A_73], %add3A_72 {strides = array<i32>} : memref<2048x1xf32, #tpu.memory_space<vmem>>, vector<2048x1xf32>,
    return
  }
  func.func @transform_0(%arg0: i32) -> (i32, i32) {
    %c0_i32 = arith.constant 0 : i32
    %c0_i32_0 = arith.constant 0 : i32
    return %arg0, %c0_i32 : i32, i32
  }
  func.func @transform_1(%arg0: i32) -> (i32, i32) {
    %c0_i32 = arith.constant 0 : i32
    %c0_i32_0 = arith.constant 0 : i32
    return %arg0, %c0_i32 : i32, i32
  }
  func.func @transform_2(%arg0: i32) -> (i32, i32) {
    %c0_i32 = arith.constant 0 : i32
    %c0_i32_0 = arith.constant 0 : i32
    return %arg0, %c0_i32 : i32, i32
  }
  func.func @transform_3(%arg0: i32) -> (i32, i32) {
    %c0_i32 = arith.constant 0 : i32
    %c0_i32_0 = arith.constant 0 : i32
    return %arg0, %c0_i32 : i32, i32
  }
  func.func @transform_4(%arg0: i32) -> (i32, i32) {
    %c0_i32 = arith.constant 0 : i32
    %c0_i32_0 = arith.constant 0 : i32
    %c0_i32_1 = arith.constant 0 : i32
    return %c0_i32, %c0_i32_0 : i32, i32
  }
  func.func @transform_5(%arg0: i32) -> (i32, i32) {
    %c0_i32 = arith.constant 0 : i32
    %c0_i32_0 = arith.constant 0 : i32
    %c0_i32_1 = arith.constant 0 : i32
    return %c0_i32, %c0_i32_0 : i32, i32
  }
  func.func @transform_6(%arg0: i32) -> (i32, i32) {
    %c0_i32 = arith.constant 0 : i32
    %c0_i32_0 = arith.constant 0 : i32
    %c0_i32_1 = arith.constant 0 : i32
    return %c0_i32, %c0_i32_0 : i32, i32
  }
  func.func @transform_7(%arg0: i32) -> (i32, i32) {
    %c0_i32 = arith.constant 0 : i32
    %c0_i32_0 = arith.constant 0 : i32
    %c0_i32_1 = arith.constant 0 : i32
    return %c0_i32, %c0_i32_0 : i32, i32
  }
  func.func @transform_8(%arg0: i32) -> (i32, i32) {
    %c0_i32 = arith.constant 0 : i32
    %c0_i32_0 = arith.constant 0 : i32
    %c0_i32_1 = arith.constant 0 : i32
    return %c0_i32, %c0_i32_0 : i32, i32
  }
  func.func @transform_9(%arg0: i32) -> (i32, i32) {
    %c0_i32 = arith.constant 0 : i32
    %c0_i32_0 = arith.constant 0 : i32
    %c0_i32_1 = arith.constant 0 : i32
    return %c0_i32, %c0_i32_0 : i32, i32
  }
  func.func @transform_10(%arg0: i32) -> (i32, i32) {
    %c0_i32 = arith.constant 0 : i32
    %c0_i32_0 = arith.constant 0 : i32
    %c0_i32_1 = arith.constant 0 : i32
    return %c0_i32, %c0_i32_0 : i32, i32
  }
  func.func @transform_11(%arg0: i32) -> (i32, i32) {
    %c0_i32 = arith.constant 0 : i32
    %c0_i32_0 = arith.constant 0 : i32
    return %arg0, %c0_i32 : i32, i32
  }
}

</mosaic_0001>

<sc_bundles>
// kernel: kernel.4.cloned.1.call-start
scs
__scs_entry_jumppad:
0x0: {  	(pc) =	sbr.rel $0x88, $3  }
0x1: {  	(tag) =	ssettag $0x0;
	lr =	simm.s32 $0x1  }
0x2: {  	[smem:$0x3F97] =	sst lr;
	_ =	strace $0xD0000000  }
0x3: {  	_ = 	snop  }
0x4: {  	_ = 	snop  }
0x5: {  	_ = 	snop  }
0x6: {  	_ = 	snop  }
0x7: {  	_ = 	snop  }
__scs_overlays_trampoline_lowered:
0x8: {  	[smem:$0x3FA6] =	sst s0  }
0x9: {  	[smem:$0x3FA7] =	sst s1  }
0xa: {  	[smem:$0x3FA8] =	sst s2  }
0xb: {  	[smem:$0x3FA9] =	sst s3  }
0xc: {  	[smem:$0x3FAA] =	sst s4  }
0xd: {  	[smem:$0x3FAB] =	sst s5  }
0xe: {  	[smem:$0x3FAC] =	sst s6  }
0xf: {  	[smem:$0x3FAD] =	sst s7  }
0x10: {  	[smem:$0x3FAE] =	sst s8  }
0x11: {  	[smem:$0x3FAF] =	sst s9;
	s0 =	simm.s32 @!p0 $0x0  }
0x12: {  	s1 =	sld [smem:$0x3F95];
	s0 =	simm.s32 @p0 $0x1  }
0x13: {  	[smem:$0x3FB0] =	sst s0;
	s0 =	simm.s32 @!p1 $0x0  }
0x14: {  	s2 =	sld [smem:$0x3F94];
	s0 =	simm.s32 @p1 $0x1  }
0x15: {  	[smem:$0x3FB1] =	sst s0;
	s0 =	simm.s32 @!p2 $0x0  }
0x16: {  	s3 =	sld [smem:$0x3FDB];
	s0 =	simm.s32 @p2 $0x1  }
0x17: {  	s4 =	simm.s32 $0x1BF5;
	[smem:$0x3FB3] =	sst s0  }
0x18: {  	s0 =	sld [smem:$0x3F96];
	_ =	swait.ge [sflag:s4], $0x0  }
0x19: {  	s7 =	sld [smem:$0x3F97]  }
0x1a: {  	s8 =	sadd.s32 $0xFFFFE003, lr  }
0x1b: {  	s9 =	sadd.s32 $0xFFFFFEF7, lr;
	s5 =	simm.s32 $0xFFFFFFFF;
	p2 =	slt.u32 s8, $0xFFFFF086  }
0x1c: {  	p1 =	slt.u32 s9, $0xF7A;
	s5 =	simm.s32 @!p2 $0x0  }
0x1d: {  	s5 =	simm.s32 @p1 $0x1;
	p0 =	seq.s32 s7, s2  }
0x1e: {  	s7 =	smul.u32 @!p0 $0xF7A, s2;
	p2 =	seq.s32 @!p0 s5, $0x0  }
0x1f: {  	s9 =	smul.u32 $0xF7A, s1;
	s8 =	simm.s32 @!p0 $0x1BF5;
	p2 =	por !p2, p0  }
0x20: {  	[sflag:s8] =	ssyncset.s32 @!p0 $0xFFFFF086;
	s6 =	sadd.s32 @!p0 s3, s7;
	s7 =	simm.s32 @!p0 $0x108  }
0x21: {  	s3 =	sadd.s32 s3, s9;
	s6 =	sadd.s32 @!p0 $0x88, s6;
	s7 =	simm.s32 @p2 $0x1082  }
0x22: {  	[simem:s7], [sflag:s8] =	dma.local @!p0 [hbm:s6], $0xF7A  }
0x23: {  	s9 =	sor.u32 $0xD0000000, s2;
	s6 =	simm.s32 $0x108;
	_ =	swait.ge @!p0 [sflag:s8], $0x0  }
0x24: {  	s3 =	sadd.s32 $0x88, s3;
	s6 =	simm.s32 @!p1 $0x1082;
	[sflag:s4] =	ssyncset.s32 $0xFFFFF086  }
0x25: {  	[simem:s6], [sflag:s4] =	dma.local [hbm:s3], $0xF7A  }
0x26: {  	[smem:$0x3F97] =	sst s1;
	(tag) =	ssettag s2;
	_ =	strace s9  }
0x27: {  	s1 =	sld [smem:$0x3FA7]  }
0x28: {  	s2 =	sld [smem:$0x3FA8]  }
0x29: {  	s4 =	sld [smem:$0x3FAA]  }
0x2a: {  	p0 =	seq.s32 s5, $0x0;
	s5 =	sld [smem:$0x3FAB]  }
0x2b: {  	s6 =	sld [smem:$0x3FAC]  }
0x2c: {  	s7 =	sld [smem:$0x3FAD]  }
0x2d: {  	s3 =	simm.s32 $0x108;
	s8 =	sld [smem:$0x3FAE]  }
0x2e: {  	s3 =	simm.s32 @!p0 $0x1082;
	s9 =	sld [smem:$0x3FAF]  }
0x2f: {  	lr =	sadd.s32 s0, s3;
	s0 =	sld [smem:$0x3FA6]  }
0x30: {  	s3 =	sld [smem:$0x3FA9]  }
0x31: {  	[smem:$0x3FB2] =	sst s10  }
0x32: {  	s10 =	sld [smem:$0x3FB0];
	_ =	sdelay $0x3  }
0x33: {  	p0 =	seq.s32 s10, $0x1;
	s10 =	sld [smem:$0x3FB2];
	_ =	sdelay $0x3  }
0x34: {  	[smem:$0x3FB2] =	sst s10  }
0x35: {  	s10 =	sld [smem:$0x3FB1];
	_ =	sdelay $0x3  }
0x36: {  	p1 =	seq.s32 s10, $0x1;
	s10 =	sld [smem:$0x3FB2];
	_ =	sdelay $0x3  }
0x37: {  	[smem:$0x3FB2] =	sst s10  }
0x38: {  	s10 =	sld [smem:$0x3FB3]  }
0x39: {  	_ = 	snop;
	(pc) =	sbr.ind lr, $3  }
0x3a: {  	_ = 	snop  }
0x3b: {  	_ = 	snop  }
0x3c: {  	p2 =	seq.s32 s10, $0x1;
	s10 =	sld [smem:$0x3FB2]  }
0x3d: {  	_ =	shalt  }
0x3e: {  	_ =	shalt  }
0x3f: {  	_ =	shalt  }
0x40: {  	_ =	shalt  }
0x41: {  	_ =	shalt  }
0x42: {  	_ =	shalt  }
0x43: {  	_ =	shalt  }
0x44: {  	_ =	shalt  }
0x45: {  	_ =	shalt  }
0x46: {  	_ =	shalt  }
0x47: {  	_ =	shalt  }
0x48: {  	_ =	shalt  }
0x49: {  	_ =	shalt  }
0x4a: {  	_ =	shalt  }
0x4b: {  	_ =	shalt  }
0x4c: {  	_ =	shalt  }
0x4d: {  	_ =	shalt  }
0x4e: {  	_ =	shalt  }
0x4f: {  	_ =	shalt  }
0x50: {  	_ =	shalt  }
0x51: {  	_ =	shalt  }
0x52: {  	_ =	shalt  }
0x53: {  	_ =	shalt  }
0x54: {  	_ =	shalt  }
0x55: {  	_ =	shalt  }
0x56: {  	_ =	shalt  }
0x57: {  	_ =	shalt  }
0x58: {  	_ =	shalt  }
0x59: {  	_ =	shalt  }
0x5a: {  	_ =	shalt  }
0x5b: {  	_ =	shalt  }
0x5c: {  	_ =	shalt  }
0x5d: {  	_ =	shalt  }
0x5e: {  	_ =	shalt  }
0x5f: {  	_ =	shalt  }
0x60: {  	_ =	shalt  }
0x61: {  	_ =	shalt  }
0x62: {  	_ =	shalt  }
0x63: {  	_ =	shalt  }
0x64: {  	_ =	shalt  }
0x65: {  	_ =	shalt  }
0x66: {  	_ =	shalt  }
0x67: {  	_ =	shalt  }
0x68: {  	_ =	shalt  }
0x69: {  	_ =	shalt  }
0x6a: {  	_ =	shalt  }
0x6b: {  	_ =	shalt  }
0x6c: {  	_ =	shalt  }
0x6d: {  	_ =	shalt  }
0x6e: {  	_ =	shalt  }
0x6f: {  	_ =	shalt  }
0x70: {  	_ =	shalt  }
0x71: {  	_ =	shalt  }
0x72: {  	_ =	shalt  }
0x73: {  	_ =	shalt  }
0x74: {  	_ =	shalt  }
0x75: {  	_ =	shalt  }
0x76: {  	_ =	shalt  }
0x77: {  	_ =	shalt  }
0x78: {  	_ =	shalt  }
0x79: {  	_ =	shalt  }
0x7a: {  	_ =	shalt  }
0x7b: {  	_ =	shalt  }
0x7c: {  	_ =	shalt  }
0x7d: {  	_ =	shalt  }
0x7e: {  	_ =	shalt  }
0x7f: {  	_ =	shalt  }
0x80: {  	_ =	shalt  }
0x81: {  	_ =	shalt  }
0x82: {  	_ =	shalt  }
0x83: {  	_ =	shalt  }
0x84: {  	_ =	shalt  }
0x85: {  	_ =	shalt  }
0x86: {  	_ =	shalt  }
0x87: {  	_ =	shalt  }
.Lfunc_end0:
.L_simem_size_0:
called_computation.1_lowered:
.L_overlay_start_0:
0x88: {  	s2 =	sld [smem:$0x3FD9]  }
0x89: {  	s3 =	sld [smem:$0x3FFE];
	_ =	sdelay $0x1  }
0x8a: {  	s1 =	srdreg.scid  }
0x8b: {  	s0 =	sand.u32 $0x1, s1  }
0x8c: {  	s16 =	sshll.u32 s0, $0xA;
	s2 =	sadd.s32 s3, s2  }
0x8d: {  	s2 =	sadd.s32 s2, s16  }
0x8e: {  	[smem:$0x3FBE] =	sst s2  }
0x8f: {  	_ = 	snop  }
0x90: {  	(tm) =	ssettm $0x1  }
0x91: {  	s17 =	sld [smem:$0x3FFB];
	_ =	sdelay $0x3  }
0x92: {  	_ =	strace s17  }
0x93: {  	s2 =	sld [smem:$0x3FFC];
	_ =	sdelay $0x3  }
0x94: {  	_ =	strace s2  }
0x95: {  	s2 =	sld [smem:$0x3FFD];
	_ =	sdelay $0x3  }
0x96: {  	_ =	strace s2  }
0x97: {  	_ =	strace $0x8FFFFFFF  }
0x98: {  	s18 =	sld [smem:$0x3FDB];
	_ =	sdelay $0x1  }
0x99: {  	s19 =	simm.s32 $_scs_section_size  }
0x9a: {  	s4 =	simm.s32 $_size__tile_overlayer_lowered;
	s5 =	simm.s32 $_tile_overlayer_lowered  }
0x9b: {  	s22 =	simm.s32 $0x1BFF;
	s21 =	sshll.u32 s5, $0x1;
	s2 =	sadd.s32 s19, s18  }
0x9c: {  	s6 =	simm.s32 $0x0;
	s20 =	sshll.u32 s4, $0x1;
	s4 =	sadd.s32 s21, s2  }
0x9d: {  	[timem:s6], [sflag:s22] =	dma.local [hbm:s4], s20  }
0x9e: {  	_ =	swait.ge [sflag:s22], s20  }
0x9f: {  	s3 =	ssub.s32 $0x0, s20;
	[sflag:s22] =	ssyncset.done $0x0  }
0xa0: {  	[sflag:s22] =	ssyncadd.s32 s3;
	_ =	sdelay $0x1  }
0xa1: {  	s23 =	simm.s32 $0x1B8B  }
0xa2: {  	_ =	swait.ge [sflag:s23], $0x1  }
0xa3: {  	[sflag:s23] =	ssyncset.done $0x0  }
0xa4: {  	s25 =	simm.s32 $0x1B8E;
	s24 =	sld [smem:$0x3FFE];
	[sflag:s23] =	ssyncadd.s32 $0xFFFFFFFF  }
0xa5: {  	s26 =	simm.s32 $execute0_lowered;
	[smem:$0x3FD2] =	sst s25  }
0xa6: {  	s4 =	sshll.u32 s26, $0x1;
	_ =	strace $0x80000049;
	[dreg:$0x1] =	wrdreg $0xFFFFFFFF  }
0xa7: {  	s28 =	simm.s32 $_size_execute0_lowered;
	s2 =	sadd.s32 s2, s4;
	[dreg:$0x0] =	wrdreg $0x0  }
0xa8: {  	s4 =	sshll.u32 s28, $0x1;
	[dreg:$0x2] =	wrdreg s2  }
0xa9: {  	[dreg:$0x3] =	wrdreg s4  }
0xaa: {  	[dreg:$0x4] =	wrdreg $0xC0  }
0xab: {  	_ =	task [dreg:s6], $0x5FFFF  }
0xac: {  	[dreg:$0x1] =	wrdreg $0xFFFFFFFF  }
0xad: {  	[dreg:$0x0] =	wrdreg $0x60  }
0xae: {  	[dreg:$0x2] =	wrdreg s24  }
0xaf: {  	[dreg:$0x3] =	wrdreg $0x9  }
0xb0: {  	_ =	task.clear_ibuf [dreg:s6], $0x4FFFF;
	_ =	strace $0x90000049  }
0xb1: {  	s29 =	simm.s32 $0x9;
	_ =	strace $0x8000004B  }
0xb2: {  	_ =	swait.ge [sflag:s29], $0x1  }
0xb3: {  	[sflag:s29] =	ssyncadd.s32 $0xFFFFFFFF  }
0xb4: {  	_ =	strace $0x9000004B  }
0xb5: {  	_ =	sfence  }
0xb6: {  	s30 =	sld [smem:$0x0];
	_ =	sdelay $0x2  }
0xb7: {  	s31 =	sshll.u32 s1, $0xD;
	s1 =	sshrl.u32 s1, $0x2  }
0xb8: {  	s3 =	sand.u32 $0x4000, s31;
	s1 =	sadd.s32 s1, s30  }
0xb9: {  	s0 =	sor.u32 s3, s0;
	s1 =	sshll.u32 s1, $0x11  }
0xba: {  	s0 =	sor.u32 s1, s0  }
0xbb: {  	s0 =	sadd.s32 $0x8F2B, s0  }
0xbc: {  	[sflag:s0] =	ssyncadd.remote.s32 $0x1  }
0xbd: {  	_ =	sfence.sel $0xFFFF  }
0xbe: {  	[dreg:$0x0] =	wrdreg $0xFFFFFFFF;
	(pc) =	sbr.abs _section_cstart, $3  }
0xbf: {  	[dreg:$0x1] =	wrdreg $0xFFFFFFFF  }
0xc0: {  	_ =	task.clear_ibuf [dreg:s6], $0x2FFFF;
	_ =	strace $0x9FFFFFFF  }
0xc1: {  	(tm) =	ssettm $0x7FFFFFFF  }
tec
execute0_lowered:
.L_overlay_start_1:
0x0: {  	(tag) =	ssettag $0x1  }
0x1: {  	s1 =	srdreg.scid;
	s0 =	stileid.u32  }
0x2: {  	s26 =	sand.u32 $0x1, s1;
	s31 =	sshll.u32 s0, $0x1  }
0x3: {  	s17 =	rddreg [dreg:$0x0];
	s16 =	sor.u32 s26, s31  }
0x4: {  	s2 =	simm.s32 $0x0;
	s1 =	rddreg [dreg:$0x1];
	s3 =	sshll.u32 s16, $0x6  }
0x5: {  	[smem:$0x7FF] =	sst s2;
	s5 =	sadd.s32 s3, s17  }
0x6: {  	_ =	strace $0x8000004A;
	s3 =	simm.s32 $0x2;
	s4 =	sadd.s32 $0xF44E00, s5  }
0x7: {  	[tilespmem:s2], [sflag:$0x2] =	stream.linear.gather [hbm4b:s4+s2], $0x200, $0x38;
	[tilespmem:$0x10400] =	vst v63  }
0x8: {  	_ =	swait.ge [sflag:s3], $0x200  }
0x9: {  	[sflag:s3] =	ssyncset.done $0x0  }
0xa: {  	s6 =	simm.s32 $0x200;
	s5 =	sadd.s32 $0xF45E00, s5;
	[sflag:s3] =	ssyncadd.s32 $0xFFFFFE00  }
0xb: {  	[tilespmem:s6], [sflag:$0x2] =	stream.linear.gather [hbm4b:s5+s2], $0x200, $0x38;
	[tilespmem:$0x10400] =	vst v63  }
0xc: {  	_ =	swait.ge [sflag:s3], $0x200  }
0xd: {  	s8 =	simm.s32 $0x80;
	[sflag:s3] =	ssyncset.done $0x0  }
0xe: {  	s9 =	simm.s32 $0x400;
	s7 =	sadd.s32 $0x118EE00, s17;
	[sflag:s3] =	ssyncadd.s32 $0xFFFFFE00  }
0xf: {  	[tilespmem:s9], [sflag:$0x1] =	stream.indirect.gather [hbm4b:s7+s8], $0x80, s2, s8, $0xb8;
	[tilespmem:$0x10400] =	vst v63  }
0x10: {  	s11 =	simm.s32 $0x8400;
	s10 =	sadd.s32 $0x10CB800, s17  }
0x11: {  	[tilespmem:s11], [sflag:$0x1] =	stream.indirect.gather [hbm4b:s10+s8], $0x80, s6, s8, $0xb8;
	[tilespmem:$0x10400] =	vst v63  }
0x12: {  	s12 =	simm.s32 $0x4400  }
0x13: {  	[tilespmem:s12], [sflag:$0x1] =	stream.indirect.gather [hbm4b:s7+s8], $0x80, s8, s8, $0xb8;
	[tilespmem:$0x10400] =	vst v63  }
0x14: {  	s13 =	simm.s32 $0x280;
	s14 =	simm.s32 $0xC400;
	s15 =	simm.s32 $0x1  }
0x15: {  	[tilespmem:s14], [sflag:$0x1] =	stream.indirect.gather [hbm4b:s10+s8], $0x80, s13, s8, $0xb8;
	[tilespmem:$0x10400] =	vst v63  }
0x16: {  	_ =	swait.ge [sflag:s15], $0x4000  }
0x17: {  	[sflag:s15] =	ssyncset.done $0x0  }
0x18: {  	[sflag:s15] =	ssyncadd.s32 $0xFFFFC000  }
0x19: {  	_ =	swait.ge [sflag:s15], $0x4000  }
0x1a: {  	s28 =	sadd.s32 $0xF46600, s17;
	s30 =	sshll.u32 s16, $0xD;
	[sflag:s15] =	ssyncset.done $0x0  }
0x1b: {  	s16 =	sadd.s32 s28, s30;
	[sflag:s15] =	ssyncadd.s32 $0xFFFFC000  }
0x1c: {  	[hbm4b:s16+s2] =	stream.linear.scatter [tilespmem:s9], [sflag:$0x2], $0x4000, $0x38;
	[tilespmem:$0x10400] =	vst v63  }
0x1d: {  	_ =	swait.ge [sflag:s3], $0x4000  }
0x1e: {  	s29 =	sadd.s32 $0xF86600, s17;
	[sflag:s3] =	ssyncset.done $0x0  }
0x1f: {  	s17 =	sadd.s32 s29, s30;
	[sflag:s3] =	ssyncadd.s32 $0xFFFFC000  }
0x20: {  	[hbm4b:s17+s2] =	stream.linear.scatter [tilespmem:s11], [sflag:$0x2], $0x4000, $0x38;
	[tilespmem:$0x10400] =	vst v63  }
0x21: {  	_ =	swait.ge [sflag:s3], $0x4000  }
0x22: {  	[sflag:s3] =	ssyncset.done $0x0  }
0x23: {  	s18 =	simm.s32 $0x100;
	[sflag:s3] =	ssyncadd.s32 $0xFFFFC000  }
0x24: {  	[tilespmem:s9], [sflag:$0x1] =	stream.indirect.gather [hbm4b:s7+s8], $0x80, s18, s8, $0xb8;
	[tilespmem:$0x10400] =	vst v63  }
0x25: {  	s19 =	simm.s32 $0x300  }
0x26: {  	[tilespmem:s11], [sflag:$0x1] =	stream.indirect.gather [hbm4b:s10+s8], $0x80, s19, s8, $0xb8;
	[tilespmem:$0x10400] =	vst v63  }
0x27: {  	_ =	swait.ge [sflag:s15], $0x4000  }
0x28: {  	[sflag:s15] =	ssyncset.done $0x0  }
0x29: {  	[sflag:s15] =	ssyncadd.s32 $0xFFFFC000  }
0x2a: {  	_ =	swait.ge [sflag:s15], $0x4000  }
0x2b: {  	s21 =	sor.u32 $0x800, s30;
	[sflag:s15] =	ssyncset.done $0x0  }
0x2c: {  	s20 =	sadd.s32 s28, s21;
	[sflag:s15] =	ssyncadd.s32 $0xFFFFC000  }
0x2d: {  	[hbm4b:s20+s2] =	stream.linear.scatter [tilespmem:s12], [sflag:$0x2], $0x4000, $0x38;
	[tilespmem:$0x10400] =	vst v63  }
0x2e: {  	_ =	swait.ge [sflag:s3], $0x4000  }
0x2f: {  	[sflag:s3] =	ssyncset.done $0x0  }
0x30: {  	s21 =	sadd.s32 s29, s21;
	[sflag:s3] =	ssyncadd.s32 $0xFFFFC000  }
0x31: {  	[hbm4b:s21+s2] =	stream.linear.scatter [tilespmem:s14], [sflag:$0x2], $0x4000, $0x38;
	[tilespmem:$0x10400] =	vst v63  }
0x32: {  	_ =	swait.ge [sflag:s3], $0x4000  }
0x33: {  	[sflag:s3] =	ssyncset.done $0x0  }
0x34: {  	s22 =	simm.s32 $0x180;
	[sflag:s3] =	ssyncadd.s32 $0xFFFFC000  }
0x35: {  	[tilespmem:s12], [sflag:$0x1] =	stream.indirect.gather [hbm4b:s7+s8], $0x80, s22, s8, $0xb8;
	[tilespmem:$0x10400] =	vst v63  }
0x36: {  	s23 =	simm.s32 $0x380  }
0x37: {  	[tilespmem:s14], [sflag:$0x1] =	stream.indirect.gather [hbm4b:s10+s8], $0x80, s23, s8, $0xb8;
	[tilespmem:$0x10400] =	vst v63  }
0x38: {  	_ =	swait.ge [sflag:s15], $0x4000  }
0x39: {  	[sflag:s15] =	ssyncset.done $0x0  }
0x3a: {  	[sflag:s15] =	ssyncadd.s32 $0xFFFFC000  }
0x3b: {  	_ =	swait.ge [sflag:s15], $0x4000  }
0x3c: {  	s25 =	sor.u32 $0x1000, s30;
	[sflag:s15] =	ssyncset.done $0x0  }
0x3d: {  	s24 =	sadd.s32 s28, s25;
	[sflag:s15] =	ssyncadd.s32 $0xFFFFC000  }
0x3e: {  	[hbm4b:s24+s2] =	stream.linear.scatter [tilespmem:s9], [sflag:$0x2], $0x4000, $0x38;
	[tilespmem:$0x10400] =	vst v63  }
0x3f: {  	_ =	swait.ge [sflag:s3], $0x4000  }
0x40: {  	[sflag:s3] =	ssyncset.done $0x0  }
0x41: {  	s25 =	sadd.s32 s29, s25;
	[sflag:s3] =	ssyncadd.s32 $0xFFFFC000  }
0x42: {  	[hbm4b:s25+s2] =	stream.linear.scatter [tilespmem:s11], [sflag:$0x2], $0x4000, $0x38;
	[tilespmem:$0x10400] =	vst v63  }
0x43: {  	_ =	swait.ge [sflag:s3], $0x4000  }
0x44: {  	[sflag:s3] =	ssyncset.done $0x0  }
0x45: {  	[sflag:s3] =	ssyncadd.s32 $0xFFFFC000  }
0x46: {  	_ =	swait.ge [sflag:s15], $0x4000  }
0x47: {  	[sflag:s15] =	ssyncset.done $0x0  }
0x48: {  	s31 =	ssub.s32 $0x2, s26;
	s30 =	sor.u32 $0x1800, s30;
	[sflag:s15] =	ssyncadd.s32 $0xFFFFC000  }
0x49: {  	s26 =	sadd.s32 s28, s30;
	s28 =	sshrl.u32 s31, $0x1;
	_ =	swait.ge [sflag:s15], $0x4000  }
0x4a: {  	s31 =	ssub.s32 s31, s28;
	[sflag:s15] =	ssyncset.done $0x0  }
0x4b: {  	s28 =	sadd.s32 s29, s30;
	s29 =	smax.u32 s31, $0x1;
	[sflag:s15] =	ssyncadd.s32 $0xFFFFC000  }
0x4c: {  	[hbm4b:s26+s2] =	stream.linear.scatter [tilespmem:s12], [sflag:$0x2], $0x4000, $0x38;
	[tilespmem:$0x10400] =	vst v63  }
0x4d: {  	p0 =	sne.s32 s29, $0x1;
	_ =	swait.ge [sflag:s3], $0x4000  }
.Ltmp0:
0x4e: {  	[sflag:s3] =	ssyncset.done $0x0;
	(pc) =	sbr.rel @!p0 .LBB2_2-.Ltmp0, $4  }
0x4f: {  	[sflag:s3] =	ssyncadd.s32 $0xFFFFC000  }
0x50: {  	[hbm4b:s28+s2] =	stream.linear.scatter [tilespmem:s14], [sflag:$0x2], $0x4000, $0x38;
	[tilespmem:$0x10400] =	vst v63  }
0x51: {  	_ =	swait.ge [sflag:s3], $0x4000  }
0x52: {  	s29 =	sadd.s32 $0xFFFFFFFF, s29;
	[sflag:s3] =	ssyncset.done $0x0  }
.LBB2_1:
0x53: {  	p0 =	sne.s32 s29, $0x1;
	s29 =	sadd.s32 $0xFFFFFFFF, s29;
	[sflag:s3] =	ssyncadd.s32 $0xFFFFC000  }
0x54: {  	[tilespmem:s2], [sflag:$0x2] =	stream.linear.gather [hbm4b:s4+s2], $0x200, $0x38;
	[tilespmem:$0x10400] =	vst v63  }
0x55: {  	_ =	swait.ge [sflag:s3], $0x200  }
0x56: {  	[sflag:s3] =	ssyncset.done $0x0  }
0x57: {  	[sflag:s3] =	ssyncadd.s32 $0xFFFFFE00  }
0x58: {  	[tilespmem:s6], [sflag:$0x2] =	stream.linear.gather [hbm4b:s5+s2], $0x200, $0x38;
	[tilespmem:$0x10400] =	vst v63  }
0x59: {  	_ =	swait.ge [sflag:s3], $0x200  }
0x5a: {  	[sflag:s3] =	ssyncset.done $0x0  }
0x5b: {  	[sflag:s3] =	ssyncadd.s32 $0xFFFFFE00  }
0x5c: {  	[tilespmem:s9], [sflag:$0x1] =	stream.indirect.gather [hbm4b:s7+s8], $0x80, s2, s8, $0xb8;
	[tilespmem:$0x10400] =	vst v63  }
0x5d: {  	_ = 	snop  }
0x5e: {  	[tilespmem:s11], [sflag:$0x1] =	stream.indirect.gather [hbm4b:s10+s8], $0x80, s6, s8, $0xb8;
	[tilespmem:$0x10400] =	vst v63  }
0x5f: {  	_ = 	snop  }
0x60: {  	[tilespmem:s12], [sflag:$0x1] =	stream.indirect.gather [hbm4b:s7+s8], $0x80, s8, s8, $0xb8;
	[tilespmem:$0x10400] =	vst v63  }
0x61: {  	_ = 	snop  }
0x62: {  	[tilespmem:s14], [sflag:$0x1] =	stream.indirect.gather [hbm4b:s10+s8], $0x80, s13, s8, $0xb8;
	[tilespmem:$0x10400] =	vst v63  }
0x63: {  	_ =	swait.ge [sflag:s15], $0x4000  }
0x64: {  	[sflag:s15] =	ssyncset.done $0x0  }
0x65: {  	[sflag:s15] =	ssyncadd.s32 $0xFFFFC000  }
0x66: {  	_ =	swait.ge [sflag:s15], $0x4000  }
0x67: {  	[sflag:s15] =	ssyncset.done $0x0  }
0x68: {  	[sflag:s15] =	ssyncadd.s32 $0xFFFFC000  }
0x69: {  	[hbm4b:s16+s2] =	stream.linear.scatter [tilespmem:s9], [sflag:$0x2], $0x4000, $0x38;
	[tilespmem:$0x10400] =	vst v63  }
0x6a: {  	_ =	swait.ge [sflag:s3], $0x4000  }
0x6b: {  	[sflag:s3] =	ssyncset.done $0x0  }
0x6c: {  	[sflag:s3] =	ssyncadd.s32 $0xFFFFC000  }
0x6d: {  	[hbm4b:s17+s2] =	stream.linear.scatter [tilespmem:s11], [sflag:$0x2], $0x4000, $0x38;
	[tilespmem:$0x10400] =	vst v63  }
0x6e: {  	_ =	swait.ge [sflag:s3], $0x4000  }
0x6f: {  	[sflag:s3] =	ssyncset.done $0x0  }
0x70: {  	[sflag:s3] =	ssyncadd.s32 $0xFFFFC000  }
0x71: {  	[tilespmem:s9], [sflag:$0x1] =	stream.indirect.gather [hbm4b:s7+s8], $0x80, s18, s8, $0xb8;
	[tilespmem:$0x10400] =	vst v63  }
0x72: {  	_ = 	snop  }
0x73: {  	[tilespmem:s11], [sflag:$0x1] =	stream.indirect.gather [hbm4b:s10+s8], $0x80, s19, s8, $0xb8;
	[tilespmem:$0x10400] =	vst v63  }
0x74: {  	_ =	swait.ge [sflag:s15], $0x4000  }
0x75: {  	[sflag:s15] =	ssyncset.done $0x0  }
0x76: {  	[sflag:s15] =	ssyncadd.s32 $0xFFFFC000  }
0x77: {  	_ =	swait.ge [sflag:s15], $0x4000  }
0x78: {  	[sflag:s15] =	ssyncset.done $0x0  }
0x79: {  	[sflag:s15] =	ssyncadd.s32 $0xFFFFC000  }
0x7a: {  	[hbm4b:s20+s2] =	stream.linear.scatter [tilespmem:s12], [sflag:$0x2], $0x4000, $0x38;
	[tilespmem:$0x10400] =	vst v63  }
0x7b: {  	_ =	swait.ge [sflag:s3], $0x4000  }
0x7c: {  	[sflag:s3] =	ssyncset.done $0x0  }
0x7d: {  	[sflag:s3] =	ssyncadd.s32 $0xFFFFC000  }
0x7e: {  	[hbm4b:s21+s2] =	stream.linear.scatter [tilespmem:s14], [sflag:$0x2], $0x4000, $0x38;
	[tilespmem:$0x10400] =	vst v63  }
0x7f: {  	_ =	swait.ge [sflag:s3], $0x4000  }
0x80: {  	[sflag:s3] =	ssyncset.done $0x0  }
0x81: {  	[sflag:s3] =	ssyncadd.s32 $0xFFFFC000  }
0x82: {  	[tilespmem:s12], [sflag:$0x1] =	stream.indirect.gather [hbm4b:s7+s8], $0x80, s22, s8, $0xb8;
	[tilespmem:$0x10400] =	vst v63  }
0x83: {  	_ = 	snop  }
0x84: {  	[tilespmem:s14], [sflag:$0x1] =	stream.indirect.gather [hbm4b:s10+s8], $0x80, s23, s8, $0xb8;
	[tilespmem:$0x10400] =	vst v63  }
0x85: {  	_ =	swait.ge [sflag:s15], $0x4000  }
0x86: {  	[sflag:s15] =	ssyncset.done $0x0  }
0x87: {  	[sflag:s15] =	ssyncadd.s32 $0xFFFFC000  }
0x88: {  	_ =	swait.ge [sflag:s15], $0x4000  }
0x89: {  	[sflag:s15] =	ssyncset.done $0x0  }
0x8a: {  	[sflag:s15] =	ssyncadd.s32 $0xFFFFC000  }
0x8b: {  	[hbm4b:s24+s2] =	stream.linear.scatter [tilespmem:s9], [sflag:$0x2], $0x4000, $0x38;
	[tilespmem:$0x10400] =	vst v63  }
0x8c: {  	_ =	swait.ge [sflag:s3], $0x4000  }
0x8d: {  	[sflag:s3] =	ssyncset.done $0x0  }
0x8e: {  	[sflag:s3] =	ssyncadd.s32 $0xFFFFC000  }
0x8f: {  	[hbm4b:s25+s2] =	stream.linear.scatter [tilespmem:s11], [sflag:$0x2], $0x4000, $0x38;
	[tilespmem:$0x10400] =	vst v63  }
0x90: {  	_ =	swait.ge [sflag:s3], $0x4000  }
0x91: {  	[sflag:s3] =	ssyncset.done $0x0  }
0x92: {  	[sflag:s3] =	ssyncadd.s32 $0xFFFFC000  }
0x93: {  	_ =	swait.ge [sflag:s15], $0x4000  }
0x94: {  	[sflag:s15] =	ssyncset.done $0x0  }
0x95: {  	[sflag:s15] =	ssyncadd.s32 $0xFFFFC000  }
0x96: {  	_ =	swait.ge [sflag:s15], $0x4000  }
0x97: {  	[sflag:s15] =	ssyncset.done $0x0  }
0x98: {  	[sflag:s15] =	ssyncadd.s32 $0xFFFFC000  }
0x99: {  	[hbm4b:s26+s2] =	stream.linear.scatter [tilespmem:s12], [sflag:$0x2], $0x4000, $0x38;
	[tilespmem:$0x10400] =	vst v63  }
0x9a: {  	_ =	swait.ge [sflag:s3], $0x4000  }
.Ltmp1:
0x9b: {  	[sflag:s3] =	ssyncset.done $0x0;
	(pc) =	sbr.rel @p0 .LBB2_1-.Ltmp1, $4  }
0x9c: {  	[sflag:s3] =	ssyncadd.s32 $0xFFFFC000  }
0x9d: {  	[hbm4b:s28+s2] =	stream.linear.scatter [tilespmem:s14], [sflag:$0x2], $0x4000, $0x38;
	[tilespmem:$0x10400] =	vst v63  }
0x9e: {  	_ =	swait.ge [sflag:s3], $0x4000  }
0x9f: {  	[sflag:s3] =	ssyncset.done $0x0  }
.LBB2_2:
0xa0: {  	[sflag:s3] =	ssyncadd.s32 $0xFFFFC000  }
0xa1: {  	_ =	sfence.sel $0x180000  }
0xa2: {  	[bflag:$0x0] =	sbarrier.arrive $0xFFFF  }
0xa3: {  	p0 =	sne.s32 s0, $0x0;
	_ =	strace $0x9000004A  }
0xa4: {  	s0 =	sadd.s32 @!p0 $0x100000, s1;
	[bflag:$0x2] =	sbarrier.arrive $0xFFFF  }
0xa5: {  	[sflag:s0] =	ssyncadd.tile.s32 @!p0 $0x1;
	_ =	shalt  }
.Lfunc_end2:
_tile_overlayer_lowered:
.L_overlay_start_2:
0xa6: {  	(tag) =	ssettag $0x2  }
0xa7: {  	s0 =	rddreg [dreg:$0x0];
	s2 =	stileid.u32  }
0xa8: {  	s1 =	rddreg [dreg:$0x1];
	p0 =	sne.s32 s2, $0x0  }
0xa9: {  	s3 =	rddreg [dreg:$0x2];
	[bflag:$0x3] =	sbarrier.arrive $0xFFFF;
	s2 =	simm.s32 @!p0 $0x1C02  }
0xaa: {  	[timem:s3], [sflag:s2] =	dma.local @!p0 [hbm:s0], s1  }
0xab: {  	s0 =	simm.s32 @!p0 $0x2  }
0xac: {  	_ =	swait.ge @!p0 [sflag:s0], s1  }
0xad: {  	s1 =	ssub.s32 @!p0 $0x0, s1;
	[sflag:s0] =	ssyncset.done @!p0 $0x0  }
0xae: {  	[sflag:s0] =	ssyncadd.s32 @!p0 s1  }
0xaf: {  	[bflag:$0x3] =	sbarrier.arrive $0xFFFF  }
0xb0: {  	_ =	shalt  }

// kernel: sparse-core-data-format-call.cloned.1.call-start
scs
called_computation_lowered:
.L_overlay_start_0:
0x0: {  	s2 =	sld [smem:$0x3FD9]  }
0x1: {  	s3 =	sld [smem:$0x3FFE];
	_ =	sdelay $0x1  }
0x2: {  	s1 =	srdreg.scid  }
0x3: {  	s0 =	sand.u32 $0x1, s1  }
0x4: {  	s18 =	sshll.u32 s0, $0xA;
	s2 =	sadd.s32 s3, s2  }
0x5: {  	s2 =	sadd.s32 s2, s18  }
0x6: {  	[smem:$0x3FBE] =	sst s2  }
0x7: {  	_ = 	snop  }
0x8: {  	s2 =	sld [smem:$0x3FC7];
	(tm) =	ssettm $0x1  }
0x9: {  	s19 =	sld [smem:$0x3FFB];
	_ =	sdelay $0x3  }
0xa: {  	_ =	strace s19  }
0xb: {  	s3 =	sld [smem:$0x3FFC];
	_ =	sdelay $0x3  }
0xc: {  	_ =	strace s3  }
0xd: {  	s3 =	sld [smem:$0x3FFD];
	_ =	sdelay $0x3  }
0xe: {  	_ =	strace s3  }
0xf: {  	_ =	strace $0x8FFFFFFF  }
0x10: {  	s20 =	sld [smem:$0x3FDB];
	_ =	sdelay $0x1  }
0x11: {  	s4 =	simm.s32 $_scs_section_size  }
0x12: {  	s5 =	simm.s32 $_size__tile_overlayer_lowered;
	s6 =	simm.s32 $_tile_overlayer_lowered  }
0x13: {  	s23 =	simm.s32 $0x1BFF;
	s22 =	sshll.u32 s6, $0x1;
	s3 =	sadd.s32 s4, s20  }
0x14: {  	s7 =	simm.s32 $0x0;
	s21 =	sshll.u32 s5, $0x1;
	s5 =	sadd.s32 s22, s3  }
0x15: {  	[timem:s7], [sflag:s23] =	dma.local [hbm:s5], s21  }
0x16: {  	_ =	swait.ge [sflag:s23], s21  }
0x17: {  	s4 =	ssub.s32 $0x0, s21;
	[sflag:s23] =	ssyncset.done $0x0  }
0x18: {  	[sflag:s23] =	ssyncadd.s32 s4;
	_ =	sdelay $0x1  }
0x19: {  	s24 =	simm.s32 $0x1B8B  }
0x1a: {  	_ =	swait.ge [sflag:s24], $0x1  }
0x1b: {  	[sflag:s24] =	ssyncset.done $0x0  }
0x1c: {  	s26 =	simm.s32 $0x1B8E;
	s25 =	sld [smem:$0x3FFE];
	[sflag:s24] =	ssyncadd.s32 $0xFFFFFFFF  }
0x1d: {  	s27 =	simm.s32 $execute0_lowered;
	[smem:$0x3FD2] =	sst s26  }
0x1e: {  	s5 =	sshll.u32 s27, $0x1;
	_ =	strace $0x80000046;
	[dreg:$0x1] =	wrdreg $0xFFFFFFFF  }
0x1f: {  	s28 =	simm.s32 $_size_execute0_lowered;
	s3 =	sadd.s32 s3, s5;
	[dreg:$0x0] =	wrdreg $0x0  }
0x20: {  	s5 =	sshll.u32 s28, $0x1;
	[dreg:$0x2] =	wrdreg s3  }
0x21: {  	[dreg:$0x3] =	wrdreg s5  }
0x22: {  	[dreg:$0x4] =	wrdreg $0xC0  }
0x23: {  	_ =	task [dreg:s7], $0x5FFFF  }
0x24: {  	[dreg:$0x1] =	wrdreg $0xFFFFFFFF  }
0x25: {  	[dreg:$0x0] =	wrdreg $0x60  }
0x26: {  	[dreg:$0x2] =	wrdreg s2  }
0x27: {  	[dreg:$0x3] =	wrdreg s25  }
0x28: {  	[dreg:$0x4] =	wrdreg $0x9  }
0x29: {  	_ =	task.clear_ibuf [dreg:s7], $0x5FFFF;
	_ =	strace $0x90000046  }
0x2a: {  	s29 =	simm.s32 $0x9;
	_ =	strace $0x80000048  }
0x2b: {  	_ =	swait.ge [sflag:s29], $0x1  }
0x2c: {  	[sflag:s29] =	ssyncadd.s32 $0xFFFFFFFF  }
0x2d: {  	_ =	strace $0x90000048  }
0x2e: {  	_ =	sfence  }
0x2f: {  	s30 =	sld [smem:$0x0];
	_ =	sdelay $0x2  }
0x30: {  	s31 =	sshll.u32 s1, $0xD;
	s1 =	sshrl.u32 s1, $0x2  }
0x31: {  	s3 =	sand.u32 $0x4000, s31;
	s1 =	sadd.s32 s1, s30  }
0x32: {  	s0 =	sor.u32 s3, s0;
	s1 =	sshll.u32 s1, $0x11  }
0x33: {  	s0 =	sor.u32 s1, s0  }
0x34: {  	s0 =	sadd.s32 $0x8F2B, s0  }
0x35: {  	[sflag:s0] =	ssyncadd.remote.s32 $0x1  }
0x36: {  	_ =	sfence.sel $0xFFFF  }
0x37: {  	[dreg:$0x0] =	wrdreg $0xFFFFFFFF;
	(pc) =	sbr.abs _section_cstart, $3  }
0x38: {  	[dreg:$0x1] =	wrdreg $0xFFFFFFFF  }
0x39: {  	_ =	task.clear_ibuf [dreg:s7], $0x2FFFF;
	_ =	strace $0x9FFFFFFF  }
0x3a: {  	(tm) =	ssettm $0x7FFFFFFF  }
0x3b: {  	_ =	shalt  }
tec
execute0_lowered:
.L_overlay_start_1:
0x0: {  	(tag) =	ssettag $0x1  }
0x1: {  	s0 =	srdreg.scid;
	s2 =	rddreg [dreg:$0x0]  }
0x2: {  	s5 =	rddreg [dreg:$0x1];
	s1 =	stileid.u32  }
0x3: {  	s4 =	simm.s32 $0x1;
	s6 =	simm.s32 $0x2;
	s15 =	simm.s32 $0x0  }
0x4: {  	p0 =	por $0x0, $0x0;
	s8 =	simm.s32 $0x80;
	s0 =	sshll.u32 s0, $0x4  }
0x5: {  	s14 =	simm.s32 $0x0;
	s9 =	simm.s32 $0x0;
	s3 =	sand.u32 $0x10, s0  }
.Ltmp0:
0x6: {  	s10 =	simm.s32 $0x0;
	s3 =	sor.u32 s1, s3;
	(pc) =	sbr.rel .LBB1_1-.Ltmp0, $4  }
0x7: {  	s0 =	rddreg [dreg:$0x2];
	_ =	strace $0x80000047;
	s3 =	sshll.u32 s3, $0x7  }
0x8: {  	s12 =	simm.s32 $0x0;
	[sflag:s4] =	ssyncpa.u1 $0x0;
	s7 =	ssub.s32 $0xF4200, s3  }
0x9: {  	s13 =	simm.s32 $0x0;
	[sflag:s6] =	ssyncpa.u1 $0x0;
	s6 =	sshrl.u32 s7, $0xC  }
0xa: {  	s5 =	sadd.s32 $0x2A00, s5;
	s11 =	smov.u32 s3;
	s7 =	sadd.s32 $0x2, s6  }
.LBB1_5:
0xb: {  	p1 =	slt.u32 s13, $0x2  }
0xc: {  	s17 =	smov.u32 s15;
	p2 =	sgt.s32 @!p1 s15, $0xF41C0;
	s16 =	sshra.s32 @!p1 s15, $0x1F  }
0xd: {  	p3 =	sgt.s32 @!p1 s14, $0x40;
	s18 =	sshra.s32 @!p1 s14, $0x1F;
	p2 =	por !p2, p1  }
0xe: {  	s15 =	sand.u32 @!p1 s16, s15;
	p3 =	por !p3, p1;
	s16 =	smov.u32 s14  }
0xf: {  	s14 =	sand.u32 @!p1 s18, s14;
	s17 =	simm.s32 @p2 $0xF41C0;
	s16 =	simm.s32 @p3 $0x40  }
0x10: {  	s15 =	ssub.s32 @!p1 s17, s15;
	s14 =	ssub.s32 @!p1 s16, s14  }
0x11: {  	s18 =	smov.u32 s12;
	s16 =	sadd.s32 @!p1 $0xFFF0BE40, s15;
	s17 =	sadd.s32 @!p1 $0xFFFFFFC0, s14  }
0x12: {  	s15 =	ssub.s32 @!p1 $0xF4240, s15;
	p2 =	sgt.s32 @!p1 s16, $0x7F;
	p3 =	sgt.s32 @!p1 s17, $0x3F  }
0x13: {  	s14 =	ssub.s32 @!p1 $0x80, s14;
	p2 =	por !p2, p1;
	p3 =	por !p3, p1  }
0x14: {  	s16 =	sadd.s32 $0x1000, s11;
	s15 =	simm.s32 @!p2 $0x0;
	s14 =	simm.s32 @!p3 $0x0  }
0x15: {  	p2 =	sgt.s32 s16, $0xF423F;
	s14 =	smul.u32 @!p1 s14, s15;
	s15 =	sadd.s32 $0x40, s12  }
0x16: {  	s18 =	smov.u32 @p2 s15  }
0x17: {  	s16 =	smov.u32 @p2 s3;
	p2 =	sgt.s32 s18, $0x3F  }
0x18: {  	s18 =	simm.s32 @p2 $0x0;
	p2 =	sne.s32 s13, s7  }
.Ltmp1:
0x19: {  	p0 =	por !p0, !p0;
	s17 =	simm.s32 @!p1 $0x2;
	(pc) =	sbr.rel @!p2 .LBB1_6-.Ltmp1, $4  }
0x1a: {  	s15 =	smov.u32 s9;
	s9 =	smov.u32 s11;
	s14 =	sand.u32 @!p1 $0x3FFFFFFF, s14  }
0x1b: {  	s11 =	smov.u32 s16;
	_ =	swait.ge @!p1 [sflag:s17], s14;
	s19 =	ssub.s32 @!p1 $0x0, s14  }
0x1c: {  	s14 =	smov.u32 s10;
	s13 =	sadd.s32 $0x1, s13;
	[sflag:s17] =	ssyncset.done @!p1 $0x0  }
0x1d: {  	s10 =	smov.u32 s12;
	s12 =	smov.u32 s18;
	[sflag:s17] =	ssyncadd.s32 @!p1 s19  }
.LBB1_1:
0x1e: {  	p1 =	sgt.u32 s13, s6  }
0x1f: {  	s16 =	sshrl.u32 @!p1 s12, $0x3  }
0x20: {  	s17 =	sshll.u32 @!p1 s11, $0x3;
	s16 =	smul.u32 @!p1 $0x7A1400, s16  }
0x21: {  	s18 =	sshll.u32 @!p1 s12, $0x7;
	s17 =	sand.u32 @!p1 $0xFFFFFC00, s17  }
0x22: {  	s16 =	sadd.s32 @!p1 s16, s17;
	s17 =	sand.u32 @!p1 $0x380, s18  }
0x23: {  	s18 =	sand.u32 @!p1 $0x7F, s11;
	s16 =	sor.u32 @!p1 s17, s16  }
0x24: {  	s17 =	sor.u32 @!p1 s18, s16  }
0x25: {  	s18 =	smulhi.u32 @!p1 $0x218D6287, s17;
	_ =	sdelay $0x1  }
0x26: {  	s16 =	smulhi.u32 @!p1 $0x218D6287, s16;
	s18 =	sshrl.u32 @!p1 s18, $0x11  }
0x27: {  	s18 =	smul.u32 @!p1 $0xF4280, s18  }
0x28: {  	s19 =	sxor.u32 @!p1 $0xFFFFFFFF, s13;
	s16 =	sshrl.u32 @!p1 s16, $0x11  }
0x29: {  	s19 =	sshll.u32 @!p1 s19, $0xD;
	s16 =	sand.u32 @!p1 $0x3F, s16;
	s17 =	ssub.s32 @!p1 s17, s18  }
0x2a: {  	s16 =	smul.u32 @!p1 $0x1E850, s16;
	s18 =	sshrl.u32 @!p1 s17, $0x3;
	s17 =	sand.u32 @!p1 $0x7, s17  }
0x2b: {  	s19 =	sand.u32 @!p1 $0x2000, s19;
	s18 =	sadd.s32 @!p1 s2, s18;
	s17 =	sshll.u32 @!p1 s17, $0x12  }
0x2c: {  	s16 =	sadd.s32 @!p1 s16, s18;
	s17 =	sor.u32 @!p1 $0x400, s17;
	s18 =	simm.s32 @!p1 $0x7A1400  }
0x2d: {  	[tilespmem:s19], [sflag:$0x1] =	stream.strided.gather @!p1 [hbm4b:s16+s17], $0x2000, s18, s17, $0x38;
	[tilespmem:$0x8100] =	vst v63  }
0x2e: {  	p1 =	seq.s32 s13, $0x0  }
0x2f: {  	p2 =	sge.u32 @!p1 s13, s7  }
0x30: {  	p1 =	por p1, p2  }
.Ltmp2:
0x31: {  	_ = 	snop;
	(pc) =	sbr.rel @p1 .LBB1_5-.Ltmp2, $1  }
0x32: {  	_ =	sdelay $0x3  }
0x33: {  	s16 =	simm.s32 $0x1  }
0x34: {  	_ =	swait.ge [sflag:s4], $0x2000;
	s16 =	simm.s32 @!p0 $0x0  }
0x35: {  	[sflag:s4] =	ssyncset.done $0x0;
	s17 =	sshll.u32 s16, $0xD  }
0x36: {  	[sflag:s4] =	ssyncadd.s32 $0xFFFFE000;
	s17 =	sor.u32 $0x40, s17  }
0x37: {  	s16 =	smul.u32 $0x8200, s16;
	v0 =	vld [tilespmem:s17+$0x30]  }
0x38: {  	v1 =	vld [tilespmem:s17+$0xFFFFFFD0]  }
0x39: {  	s16 =	sshrl.u32 s16, $0x2;
	v5 =	vld [tilespmem:s17+$0xFFFFFFE0]  }
0x3a: {  	v6 =	vld [tilespmem:s17+$0xFFFFFFF0];
	s19 =	sor.u32 $0x4000, s16  }
0x3b: {  	s31 =	sand.u32 $0x1, s13;
	v4 =	vld [tilespmem:s17+$0x0];
	s18 =	sadd.s32 $0x0, s19  }
0x3c: {  	v3 =	vld [tilespmem:s17+$0x10];
	s16 =	smul.u32 $0x8200, s31;
	[tilespmem:s18+$0x1C70 ss:$0x41] =	vst.msk $0xffff, v0  }
0x3d: {  	v2 =	vld [tilespmem:s17+$0x20];
	[tilespmem:s18+$0x410 ss:$0x41] =	vst.msk $0xffff, v1  }
0x3e: {  	s16 =	sshrl.u32 s16, $0x2;
	v1 =	vld [tilespmem:s17+$0xFFFFFFC0];
	[tilespmem:s18+$0x820 ss:$0x41] =	vst.msk $0xffff, v5;
	s17 =	sadd.s32 $0x80, s17  }
0x3f: {  	s20 =	simm.s32 $0x4;
	s21 =	simm.s32 $0x8;
	s16 =	sor.u32 $0x4000, s16;
	[tilespmem:s18+$0xC30 ss:$0x41] =	vst.msk $0xffff, v6;
	v0 =	vld [tilespmem:s17+$0x30]  }
.LBB1_3:
0x40: {  	p1 =	sne.s32 s21, $0xFC;
	v5 =	vld [tilespmem:s17+$0xFFFFFFD0];
	[tilespmem:s18+$0x1040 ss:$0x41] =	vst.msk $0xffff, v4  }
0x41: {  	v6 =	vld [tilespmem:s17+$0xFFFFFFE0];
	[tilespmem:s18+$0x1450 ss:$0x41] =	vst.msk $0xffff, v3  }
0x42: {  	s22 =	sshra.s32 s20, $0x2;
	s20 =	smov.u32 s21;
	v7 =	vld [tilespmem:s17+$0xFFFFFFF0];
	[tilespmem:s18+$0x1860 ss:$0x41] =	vst.msk $0xffff, v2  }
.Ltmp3:
0x43: {  	v4 =	vld [tilespmem:s17+$0x0];
	[tilespmem:s18+$0x0 ss:$0x41] =	vst.msk $0xffff, v1;
	s18 =	sadd.s32 s22, s19;
	(pc) =	sbr.rel @p1 .LBB1_3-.Ltmp3, $4  }
0x44: {  	v3 =	vld [tilespmem:s17+$0x10];
	[tilespmem:s18+$0x1C70 ss:$0x41] =	vst.msk $0xffff, v0  }
0x45: {  	[tilespmem:s18+$0x410 ss:$0x41] =	vst.msk $0xffff, v5;
	v2 =	vld [tilespmem:s17+$0x20]  }
0x46: {  	v1 =	vld [tilespmem:s17+$0xFFFFFFC0];
	[tilespmem:s18+$0x820 ss:$0x41] =	vst.msk $0xffff, v6;
	s17 =	sadd.s32 $0x80, s17  }
0x47: {  	s21 =	sadd.s32 $0x4, s21;
	v0 =	vld [tilespmem:s17+$0x30];
	[tilespmem:s18+$0xC30 ss:$0x41] =	vst.msk $0xffff, v7  }
0x48: {  	s21 =	sshll.u32 s9, $0x7;
	s22 =	sshll.u32 s10, $0x3;
	s20 =	sshra.s32 s20, $0x2  }
0x49: {  	p1 =	sgt.s32 s9, $0xF41C0;
	s30 =	sshra.s32 s9, $0x1F;
	s25 =	sshra.s32 s10, $0x1F  }
0x4a: {  	v5 =	vld [tilespmem:s17+$0xFFFFFFD0];
	s28 =	sshrl.u32 s10, $0x3;
	s23 =	sand.u32 $0xFFFFFC00, s21;
	s22 =	sand.u32 $0xFFFFFC00, s22  }
0x4b: {  	[tilespmem:s18+$0x1040 ss:$0x41] =	vst.msk $0xffff, v4;
	v58 =	vld [tilespmem:s17+$0xFFFFFFE0];
	s21 =	sand.u32 $0x380, s21;
	s19 =	sadd.s32 s20, s19;
	s22 =	sadd.s32 s22, s23  }
0x4c: {  	v59 =	vld [tilespmem:s17+$0xFFFFFFF0];
	[tilespmem:s18+$0x1450 ss:$0x41] =	vst.msk $0xffff, v3;
	s29 =	sor.u32 s21, s22;
	s21 =	smov.u32 s9;
	s22 =	sand.u32 s30, s9  }
0x4d: {  	v60 =	vld [tilespmem:s17+$0x0];
	[tilespmem:s18+$0x1860 ss:$0x41] =	vst.msk $0xffff, v2;
	s30 =	sand.u32 $0x7, s10;
	s20 =	sshrl.u32 s29, $0x7;
	s21 =	simm.s32 @!p1 $0xF41C0  }
0x4e: {  	v61 =	vld [tilespmem:s17+$0x10];
	[tilespmem:s18+$0x0 ss:$0x41] =	vst.msk $0xffff, v1;
	p1 =	sgt.s32 s10, $0x40;
	s24 =	ssub.s32 s21, s22;
	s21 =	smov.u32 s10  }
0x4f: {  	v62 =	vld [tilespmem:s17+$0x20];
	[tilespmem:s19+$0x1C70 ss:$0x41] =	vst.msk $0xffff, v0;
	s31 =	smulhi.u32 $0x218DEF5, s20;
	s22 =	sand.u32 s25, s10;
	s21 =	simm.s32 @!p1 $0x40  }
0x50: {  	v63 =	vld [tilespmem:s17+$0xFFFFFFC0];
	[tilespmem:s19+$0x410 ss:$0x41] =	vst.msk $0xffff, v5;
	s26 =	sadd.s32 $0xFFF0BE40, s24;
	s17 =	ssub.s32 $0xF4240, s24;
	s21 =	ssub.s32 s21, s22  }
0x51: {  	[tilespmem:s19+$0x820 ss:$0x41] =	vst.msk $0xffff, v58;
	s23 =	sshrl.u32 s31, $0xD;
	p1 =	sgt.s32 s26, $0x7F;
	s27 =	sadd.s32 $0xFFFFFFC0, s21  }
0x52: {  	[tilespmem:s19+$0xC30 ss:$0x41] =	vst.msk $0xffff, v59;
	s23 =	smul.u32 $0xF4240, s23;
	s18 =	ssub.s32 $0x80, s21;
	p2 =	sgt.s32 s27, $0x3F  }
.Ltmp4:
0x53: {  	[tilespmem:s19+$0x1040 ss:$0x41] =	vst.msk $0xffff, v60;
	s17 =	simm.s32 @p1 $0x0;
	s18 =	simm.s32 @p2 $0x0;
	(pc) =	sbr.rel .LBB1_5-.Ltmp4, $4  }
0x54: {  	s29 =	sand.u32 $0xF, s28;
	[tilespmem:s19+$0x1450 ss:$0x41] =	vst.msk $0xffff, v61;
	s20 =	ssub.s32 s20, s23;
	s17 =	smul.u32 s18, s17  }
0x55: {  	[tilespmem:s19+$0x1860 ss:$0x41] =	vst.msk $0xffff, v62;
	s21 =	sshll.u32 s30, $0x12;
	s20 =	sshll.u32 s20, $0x4;
	s18 =	sadd.s32 s5, s29  }
0x56: {  	[tilespmem:s19+$0x0 ss:$0x41] =	vst.msk $0xffff, v63;
	s31 =	sor.u32 $0x40, s21;
	s18 =	sadd.s32 s20, s18;
	s17 =	sand.u32 $0x3FFFFFFF, s17  }
0x57: {  	[hbm4b:s18+s31] =	stream.strided.scatter [tilespmem:s16], [sflag:$0x2], s17, s8, s31, $0x18;
	[tilespmem:$0x8100] =	vst v63  }
.LBB1_6:
0x58: {  	_ =	sfence.sel $0x180000  }
0x59: {  	s2 =	simm.s32 $0x1;
	[bflag:$0x0] =	sbarrier.arrive $0xFFFF  }
0x5a: {  	s31 =	simm.s32 $0x2;
	[sflag:s2] =	ssyncpa.u1 $0x1  }
0x5b: {  	[sflag:s31] =	ssyncpa.u1 $0x1  }
0x5c: {  	p0 =	sne.s32 s1, $0x0;
	_ =	strace $0x90000047  }
0x5d: {  	s0 =	sadd.s32 @!p0 $0x100000, s0;
	[bflag:$0x2] =	sbarrier.arrive $0xFFFF  }
0x5e: {  	[sflag:s0] =	ssyncadd.tile.s32 @!p0 $0x1;
	_ =	shalt  }
.Lfunc_end1:
_tile_overlayer_lowered:
.L_overlay_start_2:
0x5f: {  	(tag) =	ssettag $0x2  }
0x60: {  	s0 =	rddreg [dreg:$0x0];
	s2 =	stileid.u32  }
0x61: {  	s1 =	rddreg [dreg:$0x1];
	p0 =	sne.s32 s2, $0x0  }
0x62: {  	s3 =	rddreg [dreg:$0x2];
	[bflag:$0x3] =	sbarrier.arrive $0xFFFF;
	s2 =	simm.s32 @!p0 $0x1C01  }
0x63: {  	[timem:s3], [sflag:s2] =	dma.local @!p0 [hbm:s0], s1  }
0x64: {  	s0 =	simm.s32 @!p0 $0x1  }
0x65: {  	_ =	swait.ge @!p0 [sflag:s0], s1  }
0x66: {  	s1 =	ssub.s32 @!p0 $0x0, s1;
	[sflag:s0] =	ssyncset.done @!p0 $0x0  }
0x67: {  	[sflag:s0] =	ssyncadd.s32 @!p0 s1  }
0x68: {  	[bflag:$0x3] =	sbarrier.arrive $0xFFFF  }
0x69: {  	_ =	shalt  }

</sc_bundles>
